<compile_context>
chip_gen: v7x
topology: tpu7x:2x2x1
jax: 0.10.2.dev20260603
libtpu: 0.0.44.dev20260713+nightly
codegen_flags: <defaults>
</compile_context>

<pallas_src>
import functools

import jax
import jax.numpy as jnp
from jax import lax
from jax.experimental import pallas as pl
from jax.experimental.pallas import tpu as pltpu
from jax.experimental.pallas import tpu_sc as plsc

B = 100
A = 100
DEG = 32
SLOTS = DEG + 1
D = 128
NUNITS = B * SLOTS
IDXW = 112
EWIN = 160

_info = plsc.get_sparse_core_info()
NW = _info.num_cores * _info.num_subcores

NBUF = 4
NPAD = NBUF * (-(-(-(-NUNITS // NW)) // NBUF))


@functools.partial(
    pl.kernel,
    out_type=jax.ShapeDtypeStruct((B, SLOTS, A, D), jnp.float32),
    mesh=plsc.VectorSubcoreMesh(core_axis_name="c", subcore_axis_name="s"),
    compiler_params=pltpu.CompilerParams(needs_layout_passes=False),
    scratch_types=[
        pltpu.VMEM((EWIN, A), jnp.int32),
        pltpu.VMEM((IDXW,), jnp.int32),
        pltpu.VMEM((A, D), jnp.float32),
        pltpu.VMEM((A, D), jnp.float32),
        pltpu.VMEM((A, D), jnp.float32),
        pltpu.VMEM((A, D), jnp.float32),
        pltpu.SemaphoreType.DMA,
        pltpu.SemaphoreType.DMA,
        pltpu.SemaphoreType.DMA,
        pltpu.SemaphoreType.DMA,
        pltpu.SemaphoreType.DMA,
        pltpu.SemaphoreType.DMA,
        pltpu.SemaphoreType.DMA,
        pltpu.SemaphoreType.DMA,
    ],
)
def _graph_gather(atoms_hbm, edges_hbm, out_hbm, e_v, iota_v,
                  rows_v0, rows_v1, rows_v2, rows_v3,
                  gsem0, gsem1, gsem2, gsem3, osem0, osem1, osem2, osem3):
    rows_vs = (rows_v0, rows_v1, rows_v2, rows_v3)
    gsems = (gsem0, gsem1, gsem2, gsem3)
    osems = (osem0, osem1, osem2, osem3)
    wid = lax.axis_index("s") * _info.num_cores + lax.axis_index("c")
    c0 = wid * NUNITS // NW
    c1 = (wid + 1) * NUNITS // NW

    ebase = pl.multiple_of(
        jnp.minimum((c0 // SLOTS) * DEG, B * DEG - EWIN), 8)
    pltpu.sync_copy(edges_hbm.at[pl.ds(ebase, EWIN), :], e_v)
    for k in range(IDXW // 16):
        iota_v[pl.ds(k * 16, 16)] = k * 16 + lax.iota(jnp.int32, 16)

    def unit_of(j):
        return jnp.minimum(c0 + j, c1 - 1)

    def stage_gather(j, b):
        u = unit_of(j)
        ub = u // SLOTS
        slot = u - ub * SLOTS
        erow = jnp.maximum(ub * DEG + slot - 1 - ebase, 0)

        @pl.when(slot == 0)
        def _self():
            pltpu.async_copy(
                atoms_hbm.at[ub].at[iota_v.at[pl.ds(0, A)]],
                rows_vs[b], gsems[b])

        @pl.when(slot != 0)
        def _neigh():
            pltpu.async_copy(
                atoms_hbm.at[ub].at[e_v.at[erow]], rows_vs[b], gsems[b])

    def wait_gather(b):
        pltpu.make_async_copy(
            atoms_hbm.at[0].at[iota_v.at[pl.ds(0, A)]],
            rows_vs[b], gsems[b]).wait()

    def start_out(j, b):
        u = unit_of(j)
        ub = u // SLOTS
        slot = u - ub * SLOTS
        pltpu.async_copy(rows_vs[b], out_hbm.at[ub, slot], osems[b])

    def wait_out(b):
        pltpu.make_async_copy(rows_vs[b], out_hbm.at[0, 0], osems[b]).wait()

    stage_gather(0, 0)
    stage_gather(1, 1)
    stage_gather(2, 2)
    wait_gather(0)
    start_out(0, 0)
    stage_gather(3, 3)
    wait_gather(1)
    start_out(1, 1)

    def group_body(g, carry):
        for b in range(NBUF):
            j = NBUF * g + b
            wait_out(b)
            stage_gather(j, b)
            b2 = (b + 2) % NBUF
            wait_gather(b2)
            start_out(j - 2, b2)
        return carry

    lax.fori_loop(1, NPAD // NBUF, group_body, 0)
    wait_gather(2)
    start_out(NPAD - 2, 2)
    wait_gather(3)
    start_out(NPAD - 1, 3)
    for b in range(NBUF):
        wait_out(b)


def kernel(atoms, edges):
    assert atoms.shape == (B, A, D) and edges.shape == (B, A, DEG)
    ef = edges.transpose(0, 2, 1).reshape(B * DEG, A)
    out4 = _graph_gather(atoms, ef)
    return out4.transpose(0, 2, 1, 3)

# --- scband reference (transcript-rebuilt; emitter-appended) ---
"""Pipeline reference for scband-graph-lookup-18872086298716 (READ-ONLY COPY).

The authoritative reference and input builder live on the scoring server;
editing this copy changes nothing except your own understanding.
"""

import jax, jax.numpy as jnp
import numpy as np


def setup_inputs(seed: int = 0) -> dict:
    key = jax.random.key(seed)
    k1, k2 = jax.random.split(key)
    atoms = jax.random.normal(k1, (100, 100, 128), dtype=jnp.float32)
    edges = jax.random.randint(k2, (100, 100, 32), 0, 100, dtype=jnp.int32)
    return {"atoms": atoms, "edges": edges}


def reference(atoms, edges):
    # temporal_padding: pad one zero-row at the front of the atom axis
    masked_atoms = jnp.pad(atoms, ((0, 0), (1, 0), (0, 0)), constant_values=0.0)
    # edges are shifted by +1 so that -1 (or 0 here) maps into the pad row
    masked_edges = edges + 1
    B = atoms.shape[0]
    batch_idx = jnp.arange(B)[:, None, None]
    # gather neighbor features: [B, max_atoms, max_degree, n_atom_features]
    gathered = masked_atoms[batch_idx, masked_edges, :]
    # include_self=True: prepend self features along the degree axis
    out = jnp.concatenate([atoms[:, :, None, :], gathered], axis=2)
    return out

if __name__ == "__main__":
    import jax
    _d = setup_inputs()
    print(jax.jit(kernel)(*tuple(_d.values())))

</pallas_src>

<mosaic_0001>
#map = affine_map<(d0, d1) -> (0, 0, 0)>
#map1 = affine_map<(d0, d1) -> (0, 0)>
#map2 = affine_map<(d0, d1) -> (0, 0, 0, 0)>
module attributes {stable_mosaic.version = 14 : i64} {
  func.func @_graph_gather(%arg0: i32, %arg1: i32, %arg2: memref<100x100x128xf32, #tpu.memory_space<hbm>>, %arg3: memref<3200x100xi32, #tpu.memory_space<hbm>>, %arg4: memref<100x33x100x128xf32, #tpu.memory_space<hbm>>, %arg5: memref<160x100xi32, #tpu.memory_space<vmem>>, %arg6: memref<112xi32, #tpu.memory_space<vmem>>, %arg7: memref<100x128xf32, #tpu.memory_space<vmem>>, %arg8: memref<100x128xf32, #tpu.memory_space<vmem>>, %arg9: memref<100x128xf32, #tpu.memory_space<vmem>>, %arg10: memref<100x128xf32, #tpu.memory_space<vmem>>, %arg11: memref<!tpu.dma_semaphore, #tpu.memory_space<semaphore_mem>>, %arg12: memref<!tpu.dma_semaphore, #tpu.memory_space<semaphore_mem>>, %arg13: memref<!tpu.dma_semaphore, #tpu.memory_space<semaphore_mem>>, %arg14: memref<!tpu.dma_semaphore, #tpu.memory_space<semaphore_mem>>, %arg15: memref<!tpu.dma_semaphore, #tpu.memory_space<semaphore_mem>>, %arg16: memref<!tpu.dma_semaphore, #tpu.memory_space<semaphore_mem>>, %arg17: memref<!tpu.dma_semaphore, #tpu.memory_space<semaphore_mem>>, %arg18: memref<!tpu.dma_semaphore, #tpu.memory_space<semaphore_mem>>) attributes {dimension_semantics = [#tpu.dimension_semantics<core_parallel>, #tpu.dimension_semantics<subcore_parallel>], iteration_bounds = array<i64: 2, 16>, scalar_prefetch = 0 : i64, scratch_operands = 14 : i64, tpu.core_type = #tpu.core_type<sc_vector_subcore>, window_params = [{transform_indices = #map}, {transform_indices = #map1}, {transform_indices = #map2}]} {
    %mul3A = arith.constant 2 : i32
    %mul3A_0 = arith.muli %arg1, %mul3A : i32
    %add3A = arith.addi %mul3A_0, %arg0 : i32
    %mul3A_1 = arith.constant 3300 : i32
    %mul3A_2 = arith.muli %add3A, %mul3A_1 : i32
    %jit3A = arith.constant 32 : i32
    %div3A = arith.divsi %mul3A_2, %jit3A : i32
    %sign3A = arith.constant 0 : i32
    %sign3A_3 = arith.cmpi sgt, %mul3A_2, %sign3A : i32
    %sign3A_4 = arith.extui %sign3A_3 : i1 to i32
    %sign3A_5 = arith.constant 0 : i32
    %sign3A_6 = arith.cmpi slt, %mul3A_2, %sign3A_5 : i32
    %sign3A_7 = arith.extui %sign3A_6 : i1 to i32
    %sign3A_8 = arith.subi %sign3A_4, %sign3A_7 : i32
    %sign3A_9 = arith.constant 0 : i32
    %sign3A_10 = arith.cmpi sgt, %jit3A, %sign3A_9 : i32
    %sign3A_11 = arith.extui %sign3A_10 : i1 to i32
    %sign3A_12 = arith.constant 0 : i32
    %sign3A_13 = arith.cmpi slt, %jit3A, %sign3A_12 : i32
    %sign3A_14 = arith.extui %sign3A_13 : i1 to i32
    %sign3A_15 = arith.subi %sign3A_11, %sign3A_14 : i32
    %ne3A = arith.cmpi ne, %sign3A_8, %sign3A_15 : i32
    %rem3A = arith.remsi %mul3A_2, %jit3A : i32
    %ne3A_16 = arith.constant 0 : i32
    %ne3A_17 = arith.cmpi ne, %rem3A, %ne3A_16 : i32
    %and3A = arith.andi %ne3A, %ne3A_17 : i1
    %sub3A = arith.constant 1 : i32
    %sub3A_18 = arith.subi %div3A, %sub3A : i32
    %select_n3A = arith.select %and3A, %sub3A_18, %div3A : i32
    %add3A_19 = arith.constant 1 : i32
    %add3A_20 = arith.addi %add3A, %add3A_19 : i32
    %mul3A_21 = arith.constant 3300 : i32
    %mul3A_22 = arith.muli %add3A_20, %mul3A_21 : i32
    %jit3A_23 = arith.constant 32 : i32
    %div3A_24 = arith.divsi %mul3A_22, %jit3A_23 : i32
    %sign3A_25 = arith.constant 0 : i32
    %sign3A_26 = arith.cmpi sgt, %mul3A_22, %sign3A_25 : i32
    %sign3A_27 = arith.extui %sign3A_26 : i1 to i32
    %sign3A_28 = arith.constant 0 : i32
    %sign3A_29 = arith.cmpi slt, %mul3A_22, %sign3A_28 : i32
    %sign3A_30 = arith.extui %sign3A_29 : i1 to i32
    %sign3A_31 = arith.subi %sign3A_27, %sign3A_30 : i32
    %sign3A_32 = arith.constant 0 : i32
    %sign3A_33 = arith.cmpi sgt, %jit3A_23, %sign3A_32 : i32
    %sign3A_34 = arith.extui %sign3A_33 : i1 to i32
    %sign3A_35 = arith.constant 0 : i32
    %sign3A_36 = arith.cmpi slt, %jit3A_23, %sign3A_35 : i32
    %sign3A_37 = arith.extui %sign3A_36 : i1 to i32
    %sign3A_38 = arith.subi %sign3A_34, %sign3A_37 : i32
    %ne3A_39 = arith.cmpi ne, %sign3A_31, %sign3A_38 : i32
    %rem3A_40 = arith.remsi %mul3A_22, %jit3A_23 : i32
    %ne3A_41 = arith.constant 0 : i32
    %ne3A_42 = arith.cmpi ne, %rem3A_40, %ne3A_41 : i32
    %and3A_43 = arith.andi %ne3A_39, %ne3A_42 : i1
    %sub3A_44 = arith.constant 1 : i32
    %sub3A_45 = arith.subi %div3A_24, %sub3A_44 : i32
    %select_n3A_46 = arith.select %and3A_43, %sub3A_45, %div3A_24 : i32
    %jit3A_47 = arith.constant 33 : i32
    %div3A_48 = arith.divsi %select_n3A, %jit3A_47 : i32
    %sign3A_49 = arith.constant 0 : i32
    %sign3A_50 = arith.cmpi sgt, %select_n3A, %sign3A_49 : i32
    %sign3A_51 = arith.extui %sign3A_50 : i1 to i32
    %sign3A_52 = arith.constant 0 : i32
    %sign3A_53 = arith.cmpi slt, %select_n3A, %sign3A_52 : i32
    %sign3A_54 = arith.extui %sign3A_53 : i1 to i32
    %sign3A_55 = arith.subi %sign3A_51, %sign3A_54 : i32
    %sign3A_56 = arith.constant 0 : i32
    %sign3A_57 = arith.cmpi sgt, %jit3A_47, %sign3A_56 : i32
    %sign3A_58 = arith.extui %sign3A_57 : i1 to i32
    %sign3A_59 = arith.constant 0 : i32
    %sign3A_60 = arith.cmpi slt, %jit3A_47, %sign3A_59 : i32
    %sign3A_61 = arith.extui %sign3A_60 : i1 to i32
    %sign3A_62 = arith.subi %sign3A_58, %sign3A_61 : i32
    %ne3A_63 = arith.cmpi ne, %sign3A_55, %sign3A_62 : i32
    %rem3A_64 = arith.remsi %select_n3A, %jit3A_47 : i32
    %ne3A_65 = arith.constant 0 : i32
    %ne3A_66 = arith.cmpi ne, %rem3A_64, %ne3A_65 : i32
    %and3A_67 = arith.andi %ne3A_63, %ne3A_66 : i1
    %sub3A_68 = arith.constant 1 : i32
    %sub3A_69 = arith.subi %div3A_48, %sub3A_68 : i32
    %select_n3A_70 = arith.select %and3A_67, %sub3A_69, %div3A_48 : i32
    %mul3A_71 = arith.constant 32 : i32
    %mul3A_72 = arith.muli %select_n3A_70, %mul3A_71 : i32
    %min3A = arith.constant 3040 : i32
    %min3A_73 = arith.minsi %mul3A_72, %min3A : i32
    %multiple_of3A = tpu.assume_multiple %min3A_73, 8 : i32
    "tpu.region"() ({
      %run_scoped3A = tpu.sem_alloc : memref<!tpu.dma_semaphore, #tpu.memory_space<semaphore_mem>>
      %dma_start3A_553 = arith.constant 0 : i32
      %dma_start3A_554 = tpu.memref_slice %arg3[%multiple_of3A, %dma_start3A_553] : memref<3200x100xi32, #tpu.memory_space<hbm>> -> memref<160x100xi32, #tpu.memory_space<hbm>>
      %dma_start3A_555 = arith.constant 0 : i32
      %dma_start3A_556 = tpu.memref_slice %arg3[%multiple_of3A, %dma_start3A_555] : memref<3200x100xi32, #tpu.memory_space<hbm>> -> memref<160x100xi32, #tpu.memory_space<hbm>>
      tpu.enqueue_dma source(%dma_start3A_556 : memref<160x100xi32, #tpu.memory_space<hbm>>) target(%arg5 : memref<160x100xi32, #tpu.memory_space<vmem>>) target_semaphore(%run_scoped3A : memref<!tpu.dma_semaphore, #tpu.memory_space<semaphore_mem>>)
      %dma_wait3A_557 = arith.constant 0 : i32
      %dma_wait3A_558 = tpu.memref_slice %arg3[%multiple_of3A, %dma_wait3A_557] : memref<3200x100xi32, #tpu.memory_space<hbm>> -> memref<160x100xi32, #tpu.memory_space<hbm>>
      %dma_wait3A_559 = arith.constant 0 : i32
      %dma_wait3A_560 = tpu.memref_slice %arg3[%multiple_of3A, %dma_wait3A_559] : memref<3200x100xi32, #tpu.memory_space<hbm>> -> memref<160x100xi32, #tpu.memory_space<hbm>>
      tpu.wait_dma2 semaphore(%run_scoped3A : memref<!tpu.dma_semaphore, #tpu.memory_space<semaphore_mem>>) src(%dma_wait3A_560 : memref<160x100xi32, #tpu.memory_space<hbm>>) dst(%arg5 : memref<160x100xi32, #tpu.memory_space<vmem>>)
      tpu.yield
    }) : () -> ()
    %iota3A = tpu.iota {dimensions = array<i32: 0>} : vector<16xi32>
    %add3A_74 = arith.constant 0 : i32
    %add3A_75 = vector.broadcast %add3A_74 : i32 to vector<16xi32>
    %add3A_76 = arith.addi %add3A_75, %iota3A : vector<16xi32>
    %swap3A = arith.constant 0 : index
    %swap3A_77 = tpu.vector_load %arg6[%swap3A] {strides = array<i32>} : memref<112xi32, #tpu.memory_space<vmem>>, vector<16xi32>,
    tpu.vector_store %arg6[%swap3A], %add3A_76 {strides = array<i32>} : memref<112xi32, #tpu.memory_space<vmem>>, vector<16xi32>,
    %iota3A_78 = tpu.iota {dimensions = array<i32: 0>} : vector<16xi32>
    %add3A_79 = arith.constant 16 : i32
    %add3A_80 = vector.broadcast %add3A_79 : i32 to vector<16xi32>
    %add3A_81 = arith.addi %add3A_80, %iota3A_78 : vector<16xi32>
    %swap3A_82 = arith.constant 16 : index
    %swap3A_83 = tpu.vector_load %arg6[%swap3A_82] {strides = array<i32>} : memref<112xi32, #tpu.memory_space<vmem>>, vector<16xi32>,
    tpu.vector_store %arg6[%swap3A_82], %add3A_81 {strides = array<i32>} : memref<112xi32, #tpu.memory_space<vmem>>, vector<16xi32>,
    %iota3A_84 = tpu.iota {dimensions = array<i32: 0>} : vector<16xi32>
    %add3A_85 = arith.constant 32 : i32
    %add3A_86 = vector.broadcast %add3A_85 : i32 to vector<16xi32>
    %add3A_87 = arith.addi %add3A_86, %iota3A_84 : vector<16xi32>
    %swap3A_88 = arith.constant 32 : index
    %swap3A_89 = tpu.vector_load %arg6[%swap3A_88] {strides = array<i32>} : memref<112xi32, #tpu.memory_space<vmem>>, vector<16xi32>,
    tpu.vector_store %arg6[%swap3A_88], %add3A_87 {strides = array<i32>} : memref<112xi32, #tpu.memory_space<vmem>>, vector<16xi32>,
    %iota3A_90 = tpu.iota {dimensions = array<i32: 0>} : vector<16xi32>
    %add3A_91 = arith.constant 48 : i32
    %add3A_92 = vector.broadcast %add3A_91 : i32 to vector<16xi32>
    %add3A_93 = arith.addi %add3A_92, %iota3A_90 : vector<16xi32>
    %swap3A_94 = arith.constant 48 : index
    %swap3A_95 = tpu.vector_load %arg6[%swap3A_94] {strides = array<i32>} : memref<112xi32, #tpu.memory_space<vmem>>, vector<16xi32>,
    tpu.vector_store %arg6[%swap3A_94], %add3A_93 {strides = array<i32>} : memref<112xi32, #tpu.memory_space<vmem>>, vector<16xi32>,
    %iota3A_96 = tpu.iota {dimensions = array<i32: 0>} : vector<16xi32>
    %add3A_97 = arith.constant 64 : i32
    %add3A_98 = vector.broadcast %add3A_97 : i32 to vector<16xi32>
    %add3A_99 = arith.addi %add3A_98, %iota3A_96 : vector<16xi32>
    %swap3A_100 = arith.constant 64 : index
    %swap3A_101 = tpu.vector_load %arg6[%swap3A_100] {strides = array<i32>} : memref<112xi32, #tpu.memory_space<vmem>>, vector<16xi32>,
    tpu.vector_store %arg6[%swap3A_100], %add3A_99 {strides = array<i32>} : memref<112xi32, #tpu.memory_space<vmem>>, vector<16xi32>,
    %iota3A_102 = tpu.iota {dimensions = array<i32: 0>} : vector<16xi32>
    %add3A_103 = arith.constant 80 : i32
    %add3A_104 = vector.broadcast %add3A_103 : i32 to vector<16xi32>
    %add3A_105 = arith.addi %add3A_104, %iota3A_102 : vector<16xi32>
    %swap3A_106 = arith.constant 80 : index
    %swap3A_107 = tpu.vector_load %arg6[%swap3A_106] {strides = array<i32>} : memref<112xi32, #tpu.memory_space<vmem>>, vector<16xi32>,
    tpu.vector_store %arg6[%swap3A_106], %add3A_105 {strides = array<i32>} : memref<112xi32, #tpu.memory_space<vmem>>, vector<16xi32>,
    %iota3A_108 = tpu.iota {dimensions = array<i32: 0>} : vector<16xi32>
    %add3A_109 = arith.constant 96 : i32
    %add3A_110 = vector.broadcast %add3A_109 : i32 to vector<16xi32>
    %add3A_111 = arith.addi %add3A_110, %iota3A_108 : vector<16xi32>
    %swap3A_112 = arith.constant 96 : index
    %swap3A_113 = tpu.vector_load %arg6[%swap3A_112] {strides = array<i32>} : memref<112xi32, #tpu.memory_space<vmem>>, vector<16xi32>,
    tpu.vector_store %arg6[%swap3A_112], %add3A_111 {strides = array<i32>} : memref<112xi32, #tpu.memory_space<vmem>>, vector<16xi32>,
    %add3A_114 = arith.constant 0 : i32
    %add3A_115 = arith.addi %select_n3A, %add3A_114 : i32
    %sub3A_116 = arith.constant 1 : i32
    %sub3A_117 = arith.subi %select_n3A_46, %sub3A_116 : i32
    %min3A_118 = arith.minsi %add3A_115, %sub3A_117 : i32
    %jit3A_119 = arith.constant 33 : i32
    %div3A_120 = arith.divsi %min3A_118, %jit3A_119 : i32
    %sign3A_121 = arith.constant 0 : i32
    %sign3A_122 = arith.cmpi sgt, %min3A_118, %sign3A_121 : i32
    %sign3A_123 = arith.extui %sign3A_122 : i1 to i32
    %sign3A_124 = arith.constant 0 : i32
    %sign3A_125 = arith.cmpi slt, %min3A_118, %sign3A_124 : i32
    %sign3A_126 = arith.extui %sign3A_125 : i1 to i32
    %sign3A_127 = arith.subi %sign3A_123, %sign3A_126 : i32
    %sign3A_128 = arith.constant 0 : i32
    %sign3A_129 = arith.cmpi sgt, %jit3A_119, %sign3A_128 : i32
    %sign3A_130 = arith.extui %sign3A_129 : i1 to i32
    %sign3A_131 = arith.constant 0 : i32
    %sign3A_132 = arith.cmpi slt, %jit3A_119, %sign3A_131 : i32
    %sign3A_133 = arith.extui %sign3A_132 : i1 to i32
    %sign3A_134 = arith.subi %sign3A_130, %sign3A_133 : i32
    %ne3A_135 = arith.cmpi ne, %sign3A_127, %sign3A_134 : i32
    %rem3A_136 = arith.remsi %min3A_118, %jit3A_119 : i32
    %ne3A_137 = arith.constant 0 : i32
    %ne3A_138 = arith.cmpi ne, %rem3A_136, %ne3A_137 : i32
    %and3A_139 = arith.andi %ne3A_135, %ne3A_138 : i1
    %sub3A_140 = arith.constant 1 : i32
    %sub3A_141 = arith.subi %div3A_120, %sub3A_140 : i32
    %select_n3A_142 = arith.select %and3A_139, %sub3A_141, %div3A_120 : i32
    %mul3A_143 = arith.constant 33 : i32
    %mul3A_144 = arith.muli %select_n3A_142, %mul3A_143 : i32
    %sub3A_145 = arith.subi %min3A_118, %mul3A_144 : i32
    %mul3A_146 = arith.constant 32 : i32
    %mul3A_147 = arith.muli %select_n3A_142, %mul3A_146 : i32
    %add3A_148 = arith.addi %mul3A_147, %sub3A_145 : i32
    %sub3A_149 = arith.constant 1 : i32
    %sub3A_150 = arith.subi %add3A_148, %sub3A_149 : i32
    %sub3A_151 = arith.subi %sub3A_150, %multiple_of3A : i32
    %max3A = arith.constant 0 : i32
    %max3A_152 = arith.maxsi %sub3A_151, %max3A : i32
    %eq3A = arith.constant 0 : i32
    %eq3A_153 = arith.cmpi eq, %sub3A_145, %eq3A : i32
    %convert_element_type3A = arith.extui %eq3A_153 : i1 to i32
    %cond3A = arith.constant 0 : i32
    %cond3A_154 = arith.cmpi ne, %convert_element_type3A, %cond3A : i32
    scf.if %cond3A_154 {
      %dma_start3A_553 = arith.constant 0 : i32
      %dma_start3A_554 = tpu.memref_slice %arg6[%dma_start3A_553] : memref<112xi32, #tpu.memory_space<vmem>> -> memref<100xi32, #tpu.memory_space<vmem>>
      %dma_start3A_555 = arith.constant 0 : i32
      %dma_start3A_556 = arith.constant 0 : i32
      %dma_start3A_557 = tpu.memref_slice %arg2[%select_n3A_142, %dma_start3A_555, %dma_start3A_556] : memref<100x100x128xf32, #tpu.memory_space<hbm>> -> memref<1x100x128xf32, #tpu.memory_space<hbm>>
      %dma_start3A_558 = tpu.memref_squeeze %dma_start3A_557 : memref<1x100x128xf32, #tpu.memory_space<hbm>> -> memref<100x128xf32, #tpu.memory_space<hbm>>
      %dma_start3A_559 = arith.constant 0 : i32
      %dma_start3A_560 = arith.constant 0 : i32
      %dma_start3A_561 = tpu.memref_slice %dma_start3A_558[%dma_start3A_559, %dma_start3A_560] : memref<100x128xf32, #tpu.memory_space<hbm>> -> memref<100x128xf32, #tpu.memory_space<hbm>>
      tpu.enqueue_indirect_dma source(%dma_start3A_561 : memref<100x128xf32, #tpu.memory_space<hbm>>) target(%arg7 : memref<100x128xf32, #tpu.memory_space<vmem>>) offsets(%dma_start3A_554 : memref<100xi32, #tpu.memory_space<vmem>>) semaphore(%arg11 : memref<!tpu.dma_semaphore, #tpu.memory_space<semaphore_mem>>)
    } else {
    }
    %ne3A_155 = arith.constant 0 : i32
    %ne3A_156 = arith.cmpi ne, %sub3A_145, %ne3A_155 : i32
    %convert_element_type3A_157 = arith.extui %ne3A_156 : i1 to i32
    %cond3A_158 = arith.constant 0 : i32
    %cond3A_159 = arith.cmpi ne, %convert_element_type3A_157, %cond3A_158 : i32
    scf.if %cond3A_159 {
      %dma_start3A_553 = arith.constant 0 : i32
      %dma_start3A_554 = tpu.memref_slice %arg5[%max3A_152, %dma_start3A_553] : memref<160x100xi32, #tpu.memory_space<vmem>> -> memref<1x100xi32, #tpu.memory_space<vmem>>
      %dma_start3A_555 = tpu.memref_squeeze %dma_start3A_554 : memref<1x100xi32, #tpu.memory_space<vmem>> -> memref<100xi32, #tpu.memory_space<vmem>>
      %dma_start3A_556 = arith.constant 0 : i32
      %dma_start3A_557 = arith.constant 0 : i32
      %dma_start3A_558 = tpu.memref_slice %arg2[%select_n3A_142, %dma_start3A_556, %dma_start3A_557] : memref<100x100x128xf32, #tpu.memory_space<hbm>> -> memref<1x100x128xf32, #tpu.memory_space<hbm>>
      %dma_start3A_559 = tpu.memref_squeeze %dma_start3A_558 : memref<1x100x128xf32, #tpu.memory_space<hbm>> -> memref<100x128xf32, #tpu.memory_space<hbm>>
      %dma_start3A_560 = arith.constant 0 : i32
      %dma_start3A_561 = arith.constant 0 : i32
      %dma_start3A_562 = tpu.memref_slice %dma_start3A_559[%dma_start3A_560, %dma_start3A_561] : memref<100x128xf32, #tpu.memory_space<hbm>> -> memref<100x128xf32, #tpu.memory_space<hbm>>
      tpu.enqueue_indirect_dma source(%dma_start3A_562 : memref<100x128xf32, #tpu.memory_space<hbm>>) target(%arg7 : memref<100x128xf32, #tpu.memory_space<vmem>>) offsets(%dma_start3A_555 : memref<100xi32, #tpu.memory_space<vmem>>) semaphore(%arg11 : memref<!tpu.dma_semaphore, #tpu.memory_space<semaphore_mem>>)
    } else {
    }
    %add3A_160 = arith.constant 1 : i32
    %add3A_161 = arith.addi %select_n3A, %add3A_160 : i32
    %sub3A_162 = arith.constant 1 : i32
    %sub3A_163 = arith.subi %select_n3A_46, %sub3A_162 : i32
    %min3A_164 = arith.minsi %add3A_161, %sub3A_163 : i32
    %jit3A_165 = arith.constant 33 : i32
    %div3A_166 = arith.divsi %min3A_164, %jit3A_165 : i32
    %sign3A_167 = arith.constant 0 : i32
    %sign3A_168 = arith.cmpi sgt, %min3A_164, %sign3A_167 : i32
    %sign3A_169 = arith.extui %sign3A_168 : i1 to i32
    %sign3A_170 = arith.constant 0 : i32
    %sign3A_171 = arith.cmpi slt, %min3A_164, %sign3A_170 : i32
    %sign3A_172 = arith.extui %sign3A_171 : i1 to i32
    %sign3A_173 = arith.subi %sign3A_169, %sign3A_172 : i32
    %sign3A_174 = arith.constant 0 : i32
    %sign3A_175 = arith.cmpi sgt, %jit3A_165, %sign3A_174 : i32
    %sign3A_176 = arith.extui %sign3A_175 : i1 to i32
    %sign3A_177 = arith.constant 0 : i32
    %sign3A_178 = arith.cmpi slt, %jit3A_165, %sign3A_177 : i32
    %sign3A_179 = arith.extui %sign3A_178 : i1 to i32
    %sign3A_180 = arith.subi %sign3A_176, %sign3A_179 : i32
    %ne3A_181 = arith.cmpi ne, %sign3A_173, %sign3A_180 : i32
    %rem3A_182 = arith.remsi %min3A_164, %jit3A_165 : i32
    %ne3A_183 = arith.constant 0 : i32
    %ne3A_184 = arith.cmpi ne, %rem3A_182, %ne3A_183 : i32
    %and3A_185 = arith.andi %ne3A_181, %ne3A_184 : i1
    %sub3A_186 = arith.constant 1 : i32
    %sub3A_187 = arith.subi %div3A_166, %sub3A_186 : i32
    %select_n3A_188 = arith.select %and3A_185, %sub3A_187, %div3A_166 : i32
    %mul3A_189 = arith.constant 33 : i32
    %mul3A_190 = arith.muli %select_n3A_188, %mul3A_189 : i32
    %sub3A_191 = arith.subi %min3A_164, %mul3A_190 : i32
    %mul3A_192 = arith.constant 32 : i32
    %mul3A_193 = arith.muli %select_n3A_188, %mul3A_192 : i32
    %add3A_194 = arith.addi %mul3A_193, %sub3A_191 : i32
    %sub3A_195 = arith.constant 1 : i32
    %sub3A_196 = arith.subi %add3A_194, %sub3A_195 : i32
    %sub3A_197 = arith.subi %sub3A_196, %multiple_of3A : i32
    %max3A_198 = arith.constant 0 : i32
    %max3A_199 = arith.maxsi %sub3A_197, %max3A_198 : i32
    %eq3A_200 = arith.constant 0 : i32
    %eq3A_201 = arith.cmpi eq, %sub3A_191, %eq3A_200 : i32
    %convert_element_type3A_202 = arith.extui %eq3A_201 : i1 to i32
    %cond3A_203 = arith.constant 0 : i32
    %cond3A_204 = arith.cmpi ne, %convert_element_type3A_202, %cond3A_203 : i32
    scf.if %cond3A_204 {
      %dma_start3A_553 = arith.constant 0 : i32
      %dma_start3A_554 = tpu.memref_slice %arg6[%dma_start3A_553] : memref<112xi32, #tpu.memory_space<vmem>> -> memref<100xi32, #tpu.memory_space<vmem>>
      %dma_start3A_555 = arith.constant 0 : i32
      %dma_start3A_556 = arith.constant 0 : i32
      %dma_start3A_557 = tpu.memref_slice %arg2[%select_n3A_188, %dma_start3A_555, %dma_start3A_556] : memref<100x100x128xf32, #tpu.memory_space<hbm>> -> memref<1x100x128xf32, #tpu.memory_space<hbm>>
      %dma_start3A_558 = tpu.memref_squeeze %dma_start3A_557 : memref<1x100x128xf32, #tpu.memory_space<hbm>> -> memref<100x128xf32, #tpu.memory_space<hbm>>
      %dma_start3A_559 = arith.constant 0 : i32
      %dma_start3A_560 = arith.constant 0 : i32
      %dma_start3A_561 = tpu.memref_slice %dma_start3A_558[%dma_start3A_559, %dma_start3A_560] : memref<100x128xf32, #tpu.memory_space<hbm>> -> memref<100x128xf32, #tpu.memory_space<hbm>>
      tpu.enqueue_indirect_dma source(%dma_start3A_561 : memref<100x128xf32, #tpu.memory_space<hbm>>) target(%arg8 : memref<100x128xf32, #tpu.memory_space<vmem>>) offsets(%dma_start3A_554 : memref<100xi32, #tpu.memory_space<vmem>>) semaphore(%arg12 : memref<!tpu.dma_semaphore, #tpu.memory_space<semaphore_mem>>)
    } else {
    }
    %ne3A_205 = arith.constant 0 : i32
    %ne3A_206 = arith.cmpi ne, %sub3A_191, %ne3A_205 : i32
    %convert_element_type3A_207 = arith.extui %ne3A_206 : i1 to i32
    %cond3A_208 = arith.constant 0 : i32
    %cond3A_209 = arith.cmpi ne, %convert_element_type3A_207, %cond3A_208 : i32
    scf.if %cond3A_209 {
      %dma_start3A_553 = arith.constant 0 : i32
      %dma_start3A_554 = tpu.memref_slice %arg5[%max3A_199, %dma_start3A_553] : memref<160x100xi32, #tpu.memory_space<vmem>> -> memref<1x100xi32, #tpu.memory_space<vmem>>
      %dma_start3A_555 = tpu.memref_squeeze %dma_start3A_554 : memref<1x100xi32, #tpu.memory_space<vmem>> -> memref<100xi32, #tpu.memory_space<vmem>>
      %dma_start3A_556 = arith.constant 0 : i32
      %dma_start3A_557 = arith.constant 0 : i32
      %dma_start3A_558 = tpu.memref_slice %arg2[%select_n3A_188, %dma_start3A_556, %dma_start3A_557] : memref<100x100x128xf32, #tpu.memory_space<hbm>> -> memref<1x100x128xf32, #tpu.memory_space<hbm>>
      %dma_start3A_559 = tpu.memref_squeeze %dma_start3A_558 : memref<1x100x128xf32, #tpu.memory_space<hbm>> -> memref<100x128xf32, #tpu.memory_space<hbm>>
      %dma_start3A_560 = arith.constant 0 : i32
      %dma_start3A_561 = arith.constant 0 : i32
      %dma_start3A_562 = tpu.memref_slice %dma_start3A_559[%dma_start3A_560, %dma_start3A_561] : memref<100x128xf32, #tpu.memory_space<hbm>> -> memref<100x128xf32, #tpu.memory_space<hbm>>
      tpu.enqueue_indirect_dma source(%dma_start3A_562 : memref<100x128xf32, #tpu.memory_space<hbm>>) target(%arg8 : memref<100x128xf32, #tpu.memory_space<vmem>>) offsets(%dma_start3A_555 : memref<100xi32, #tpu.memory_space<vmem>>) semaphore(%arg12 : memref<!tpu.dma_semaphore, #tpu.memory_space<semaphore_mem>>)
    } else {
    }
    %add3A_210 = arith.constant 2 : i32
    %add3A_211 = arith.addi %select_n3A, %add3A_210 : i32
    %sub3A_212 = arith.constant 1 : i32
    %sub3A_213 = arith.subi %select_n3A_46, %sub3A_212 : i32
    %min3A_214 = arith.minsi %add3A_211, %sub3A_213 : i32
    %jit3A_215 = arith.constant 33 : i32
    %div3A_216 = arith.divsi %min3A_214, %jit3A_215 : i32
    %sign3A_217 = arith.constant 0 : i32
    %sign3A_218 = arith.cmpi sgt, %min3A_214, %sign3A_217 : i32
    %sign3A_219 = arith.extui %sign3A_218 : i1 to i32
    %sign3A_220 = arith.constant 0 : i32
    %sign3A_221 = arith.cmpi slt, %min3A_214, %sign3A_220 : i32
    %sign3A_222 = arith.extui %sign3A_221 : i1 to i32
    %sign3A_223 = arith.subi %sign3A_219, %sign3A_222 : i32
    %sign3A_224 = arith.constant 0 : i32
    %sign3A_225 = arith.cmpi sgt, %jit3A_215, %sign3A_224 : i32
    %sign3A_226 = arith.extui %sign3A_225 : i1 to i32
    %sign3A_227 = arith.constant 0 : i32
    %sign3A_228 = arith.cmpi slt, %jit3A_215, %sign3A_227 : i32
    %sign3A_229 = arith.extui %sign3A_228 : i1 to i32
    %sign3A_230 = arith.subi %sign3A_226, %sign3A_229 : i32
    %ne3A_231 = arith.cmpi ne, %sign3A_223, %sign3A_230 : i32
    %rem3A_232 = arith.remsi %min3A_214, %jit3A_215 : i32
    %ne3A_233 = arith.constant 0 : i32
    %ne3A_234 = arith.cmpi ne, %rem3A_232, %ne3A_233 : i32
    %and3A_235 = arith.andi %ne3A_231, %ne3A_234 : i1
    %sub3A_236 = arith.constant 1 : i32
    %sub3A_237 = arith.subi %div3A_216, %sub3A_236 : i32
    %select_n3A_238 = arith.select %and3A_235, %sub3A_237, %div3A_216 : i32
    %mul3A_239 = arith.constant 33 : i32
    %mul3A_240 = arith.muli %select_n3A_238, %mul3A_239 : i32
    %sub3A_241 = arith.subi %min3A_214, %mul3A_240 : i32
    %mul3A_242 = arith.constant 32 : i32
    %mul3A_243 = arith.muli %select_n3A_238, %mul3A_242 : i32
    %add3A_244 = arith.addi %mul3A_243, %sub3A_241 : i32
    %sub3A_245 = arith.constant 1 : i32
    %sub3A_246 = arith.subi %add3A_244, %sub3A_245 : i32
    %sub3A_247 = arith.subi %sub3A_246, %multiple_of3A : i32
    %max3A_248 = arith.constant 0 : i32
    %max3A_249 = arith.maxsi %sub3A_247, %max3A_248 : i32
    %eq3A_250 = arith.constant 0 : i32
    %eq3A_251 = arith.cmpi eq, %sub3A_241, %eq3A_250 : i32
    %convert_element_type3A_252 = arith.extui %eq3A_251 : i1 to i32
    %cond3A_253 = arith.constant 0 : i32
    %cond3A_254 = arith.cmpi ne, %convert_element_type3A_252, %cond3A_253 : i32
    scf.if %cond3A_254 {
      %dma_start3A_553 = arith.constant 0 : i32
      %dma_start3A_554 = tpu.memref_slice %arg6[%dma_start3A_553] : memref<112xi32, #tpu.memory_space<vmem>> -> memref<100xi32, #tpu.memory_space<vmem>>
      %dma_start3A_555 = arith.constant 0 : i32
      %dma_start3A_556 = arith.constant 0 : i32
      %dma_start3A_557 = tpu.memref_slice %arg2[%select_n3A_238, %dma_start3A_555, %dma_start3A_556] : memref<100x100x128xf32, #tpu.memory_space<hbm>> -> memref<1x100x128xf32, #tpu.memory_space<hbm>>
      %dma_start3A_558 = tpu.memref_squeeze %dma_start3A_557 : memref<1x100x128xf32, #tpu.memory_space<hbm>> -> memref<100x128xf32, #tpu.memory_space<hbm>>
      %dma_start3A_559 = arith.constant 0 : i32
      %dma_start3A_560 = arith.constant 0 : i32
      %dma_start3A_561 = tpu.memref_slice %dma_start3A_558[%dma_start3A_559, %dma_start3A_560] : memref<100x128xf32, #tpu.memory_space<hbm>> -> memref<100x128xf32, #tpu.memory_space<hbm>>
      tpu.enqueue_indirect_dma source(%dma_start3A_561 : memref<100x128xf32, #tpu.memory_space<hbm>>) target(%arg9 : memref<100x128xf32, #tpu.memory_space<vmem>>) offsets(%dma_start3A_554 : memref<100xi32, #tpu.memory_space<vmem>>) semaphore(%arg13 : memref<!tpu.dma_semaphore, #tpu.memory_space<semaphore_mem>>)
    } else {
    }
    %ne3A_255 = arith.constant 0 : i32
    %ne3A_256 = arith.cmpi ne, %sub3A_241, %ne3A_255 : i32
    %convert_element_type3A_257 = arith.extui %ne3A_256 : i1 to i32
    %cond3A_258 = arith.constant 0 : i32
    %cond3A_259 = arith.cmpi ne, %convert_element_type3A_257, %cond3A_258 : i32
    scf.if %cond3A_259 {
      %dma_start3A_553 = arith.constant 0 : i32
      %dma_start3A_554 = tpu.memref_slice %arg5[%max3A_249, %dma_start3A_553] : memref<160x100xi32, #tpu.memory_space<vmem>> -> memref<1x100xi32, #tpu.memory_space<vmem>>
      %dma_start3A_555 = tpu.memref_squeeze %dma_start3A_554 : memref<1x100xi32, #tpu.memory_space<vmem>> -> memref<100xi32, #tpu.memory_space<vmem>>
      %dma_start3A_556 = arith.constant 0 : i32
      %dma_start3A_557 = arith.constant 0 : i32
      %dma_start3A_558 = tpu.memref_slice %arg2[%select_n3A_238, %dma_start3A_556, %dma_start3A_557] : memref<100x100x128xf32, #tpu.memory_space<hbm>> -> memref<1x100x128xf32, #tpu.memory_space<hbm>>
      %dma_start3A_559 = tpu.memref_squeeze %dma_start3A_558 : memref<1x100x128xf32, #tpu.memory_space<hbm>> -> memref<100x128xf32, #tpu.memory_space<hbm>>
      %dma_start3A_560 = arith.constant 0 : i32
      %dma_start3A_561 = arith.constant 0 : i32
      %dma_start3A_562 = tpu.memref_slice %dma_start3A_559[%dma_start3A_560, %dma_start3A_561] : memref<100x128xf32, #tpu.memory_space<hbm>> -> memref<100x128xf32, #tpu.memory_space<hbm>>
      tpu.enqueue_indirect_dma source(%dma_start3A_562 : memref<100x128xf32, #tpu.memory_space<hbm>>) target(%arg9 : memref<100x128xf32, #tpu.memory_space<vmem>>) offsets(%dma_start3A_555 : memref<100xi32, #tpu.memory_space<vmem>>) semaphore(%arg13 : memref<!tpu.dma_semaphore, #tpu.memory_space<semaphore_mem>>)
    } else {
    }
    %dma_wait3A = arith.constant 0 : i32
    %dma_wait3A_260 = arith.constant 0 : i32
    %dma_wait3A_261 = tpu.memref_slice %arg6[%dma_wait3A_260] : memref<112xi32, #tpu.memory_space<vmem>> -> memref<100xi32, #tpu.memory_space<vmem>>
    %dma_wait3A_262 = arith.constant 0 : i32
    %dma_wait3A_263 = arith.constant 0 : i32
    %dma_wait3A_264 = tpu.memref_slice %arg2[%dma_wait3A, %dma_wait3A_262, %dma_wait3A_263] : memref<100x100x128xf32, #tpu.memory_space<hbm>> -> memref<1x100x128xf32, #tpu.memory_space<hbm>>
    %dma_wait3A_265 = tpu.memref_squeeze %dma_wait3A_264 : memref<1x100x128xf32, #tpu.memory_space<hbm>> -> memref<100x128xf32, #tpu.memory_space<hbm>>
    %dma_wait3A_266 = arith.constant 0 : i32
    %dma_wait3A_267 = arith.constant 0 : i32
    %dma_wait3A_268 = tpu.memref_slice %dma_wait3A_265[%dma_wait3A_266, %dma_wait3A_267] : memref<100x128xf32, #tpu.memory_space<hbm>> -> memref<100x128xf32, #tpu.memory_space<hbm>>
    tpu.wait_indirect_dma semaphore(%arg11 : memref<!tpu.dma_semaphore, #tpu.memory_space<semaphore_mem>>) src(%dma_wait3A_268 : memref<100x128xf32, #tpu.memory_space<hbm>>) dst(%arg7 : memref<100x128xf32, #tpu.memory_space<vmem>>)
    %add3A_269 = arith.constant 0 : i32
    %add3A_270 = arith.addi %select_n3A, %add3A_269 : i32
    %sub3A_271 = arith.constant 1 : i32
    %sub3A_272 = arith.subi %select_n3A_46, %sub3A_271 : i32
    %min3A_273 = arith.minsi %add3A_270, %sub3A_272 : i32
    %jit3A_274 = arith.constant 33 : i32
    %div3A_275 = arith.divsi %min3A_273, %jit3A_274 : i32
    %sign3A_276 = arith.constant 0 : i32
    %sign3A_277 = arith.cmpi sgt, %min3A_273, %sign3A_276 : i32
    %sign3A_278 = arith.extui %sign3A_277 : i1 to i32
    %sign3A_279 = arith.constant 0 : i32
    %sign3A_280 = arith.cmpi slt, %min3A_273, %sign3A_279 : i32
    %sign3A_281 = arith.extui %sign3A_280 : i1 to i32
    %sign3A_282 = arith.subi %sign3A_278, %sign3A_281 : i32
    %sign3A_283 = arith.constant 0 : i32
    %sign3A_284 = arith.cmpi sgt, %jit3A_274, %sign3A_283 : i32
    %sign3A_285 = arith.extui %sign3A_284 : i1 to i32
    %sign3A_286 = arith.constant 0 : i32
    %sign3A_287 = arith.cmpi slt, %jit3A_274, %sign3A_286 : i32
    %sign3A_288 = arith.extui %sign3A_287 : i1 to i32
    %sign3A_289 = arith.subi %sign3A_285, %sign3A_288 : i32
    %ne3A_290 = arith.cmpi ne, %sign3A_282, %sign3A_289 : i32
    %rem3A_291 = arith.remsi %min3A_273, %jit3A_274 : i32
    %ne3A_292 = arith.constant 0 : i32
    %ne3A_293 = arith.cmpi ne, %rem3A_291, %ne3A_292 : i32
    %and3A_294 = arith.andi %ne3A_290, %ne3A_293 : i1
    %sub3A_295 = arith.constant 1 : i32
    %sub3A_296 = arith.subi %div3A_275, %sub3A_295 : i32
    %select_n3A_297 = arith.select %and3A_294, %sub3A_296, %div3A_275 : i32
    %mul3A_298 = arith.constant 33 : i32
    %mul3A_299 = arith.muli %select_n3A_297, %mul3A_298 : i32
    %sub3A_300 = arith.subi %min3A_273, %mul3A_299 : i32
    %dma_start3A = arith.constant 0 : i32
    %dma_start3A_301 = arith.constant 0 : i32
    %dma_start3A_302 = tpu.memref_slice %arg4[%select_n3A_297, %sub3A_300, %dma_start3A, %dma_start3A_301] : memref<100x33x100x128xf32, #tpu.memory_space<hbm>> -> memref<1x1x100x128xf32, #tpu.memory_space<hbm>>
    %dma_start3A_303 = tpu.memref_squeeze %dma_start3A_302 : memref<1x1x100x128xf32, #tpu.memory_space<hbm>> -> memref<100x128xf32, #tpu.memory_space<hbm>>
    %dma_start3A_304 = arith.constant 0 : i32
    %dma_start3A_305 = arith.constant 0 : i32
    %dma_start3A_306 = tpu.memref_slice %arg4[%select_n3A_297, %sub3A_300, %dma_start3A_304, %dma_start3A_305] : memref<100x33x100x128xf32, #tpu.memory_space<hbm>> -> memref<1x1x100x128xf32, #tpu.memory_space<hbm>>
    %dma_start3A_307 = tpu.memref_squeeze %dma_start3A_306 : memref<1x1x100x128xf32, #tpu.memory_space<hbm>> -> memref<100x128xf32, #tpu.memory_space<hbm>>
    tpu.enqueue_dma source(%arg7 : memref<100x128xf32, #tpu.memory_space<vmem>>) target(%dma_start3A_307 : memref<100x128xf32, #tpu.memory_space<hbm>>) target_semaphore(%arg15 : memref<!tpu.dma_semaphore, #tpu.memory_space<semaphore_mem>>)
    %add3A_308 = arith.constant 3 : i32
    %add3A_309 = arith.addi %select_n3A, %add3A_308 : i32
    %sub3A_310 = arith.constant 1 : i32
    %sub3A_311 = arith.subi %select_n3A_46, %sub3A_310 : i32
    %min3A_312 = arith.minsi %add3A_309, %sub3A_311 : i32
    %jit3A_313 = arith.constant 33 : i32
    %div3A_314 = arith.divsi %min3A_312, %jit3A_313 : i32
    %sign3A_315 = arith.constant 0 : i32
    %sign3A_316 = arith.cmpi sgt, %min3A_312, %sign3A_315 : i32
    %sign3A_317 = arith.extui %sign3A_316 : i1 to i32
    %sign3A_318 = arith.constant 0 : i32
    %sign3A_319 = arith.cmpi slt, %min3A_312, %sign3A_318 : i32
    %sign3A_320 = arith.extui %sign3A_319 : i1 to i32
    %sign3A_321 = arith.subi %sign3A_317, %sign3A_320 : i32
    %sign3A_322 = arith.constant 0 : i32
    %sign3A_323 = arith.cmpi sgt, %jit3A_313, %sign3A_322 : i32
    %sign3A_324 = arith.extui %sign3A_323 : i1 to i32
    %sign3A_325 = arith.constant 0 : i32
    %sign3A_326 = arith.cmpi slt, %jit3A_313, %sign3A_325 : i32
    %sign3A_327 = arith.extui %sign3A_326 : i1 to i32
    %sign3A_328 = arith.subi %sign3A_324, %sign3A_327 : i32
    %ne3A_329 = arith.cmpi ne, %sign3A_321, %sign3A_328 : i32
    %rem3A_330 = arith.remsi %min3A_312, %jit3A_313 : i32
    %ne3A_331 = arith.constant 0 : i32
    %ne3A_332 = arith.cmpi ne, %rem3A_330, %ne3A_331 : i32
    %and3A_333 = arith.andi %ne3A_329, %ne3A_332 : i1
    %sub3A_334 = arith.constant 1 : i32
    %sub3A_335 = arith.subi %div3A_314, %sub3A_334 : i32
    %select_n3A_336 = arith.select %and3A_333, %sub3A_335, %div3A_314 : i32
    %mul3A_337 = arith.constant 33 : i32
    %mul3A_338 = arith.muli %select_n3A_336, %mul3A_337 : i32
    %sub3A_339 = arith.subi %min3A_312, %mul3A_338 : i32
    %mul3A_340 = arith.constant 32 : i32
    %mul3A_341 = arith.muli %select_n3A_336, %mul3A_340 : i32
    %add3A_342 = arith.addi %mul3A_341, %sub3A_339 : i32
    %sub3A_343 = arith.constant 1 : i32
    %sub3A_344 = arith.subi %add3A_342, %sub3A_343 : i32
    %sub3A_345 = arith.subi %sub3A_344, %multiple_of3A : i32
    %max3A_346 = arith.constant 0 : i32
    %max3A_347 = arith.maxsi %sub3A_345, %max3A_346 : i32
    %eq3A_348 = arith.constant 0 : i32
    %eq3A_349 = arith.cmpi eq, %sub3A_339, %eq3A_348 : i32
    %convert_element_type3A_350 = arith.extui %eq3A_349 : i1 to i32
    %cond3A_351 = arith.constant 0 : i32
    %cond3A_352 = arith.cmpi ne, %convert_element_type3A_350, %cond3A_351 : i32
    scf.if %cond3A_352 {
      %dma_start3A_553 = arith.constant 0 : i32
      %dma_start3A_554 = tpu.memref_slice %arg6[%dma_start3A_553] : memref<112xi32, #tpu.memory_space<vmem>> -> memref<100xi32, #tpu.memory_space<vmem>>
      %dma_start3A_555 = arith.constant 0 : i32
      %dma_start3A_556 = arith.constant 0 : i32
      %dma_start3A_557 = tpu.memref_slice %arg2[%select_n3A_336, %dma_start3A_555, %dma_start3A_556] : memref<100x100x128xf32, #tpu.memory_space<hbm>> -> memref<1x100x128xf32, #tpu.memory_space<hbm>>
      %dma_start3A_558 = tpu.memref_squeeze %dma_start3A_557 : memref<1x100x128xf32, #tpu.memory_space<hbm>> -> memref<100x128xf32, #tpu.memory_space<hbm>>
      %dma_start3A_559 = arith.constant 0 : i32
      %dma_start3A_560 = arith.constant 0 : i32
      %dma_start3A_561 = tpu.memref_slice %dma_start3A_558[%dma_start3A_559, %dma_start3A_560] : memref<100x128xf32, #tpu.memory_space<hbm>> -> memref<100x128xf32, #tpu.memory_space<hbm>>
      tpu.enqueue_indirect_dma source(%dma_start3A_561 : memref<100x128xf32, #tpu.memory_space<hbm>>) target(%arg10 : memref<100x128xf32, #tpu.memory_space<vmem>>) offsets(%dma_start3A_554 : memref<100xi32, #tpu.memory_space<vmem>>) semaphore(%arg14 : memref<!tpu.dma_semaphore, #tpu.memory_space<semaphore_mem>>)
    } else {
    }
    %ne3A_353 = arith.constant 0 : i32
    %ne3A_354 = arith.cmpi ne, %sub3A_339, %ne3A_353 : i32
    %convert_element_type3A_355 = arith.extui %ne3A_354 : i1 to i32
    %cond3A_356 = arith.constant 0 : i32
    %cond3A_357 = arith.cmpi ne, %convert_element_type3A_355, %cond3A_356 : i32
    scf.if %cond3A_357 {
      %dma_start3A_553 = arith.constant 0 : i32
      %dma_start3A_554 = tpu.memref_slice %arg5[%max3A_347, %dma_start3A_553] : memref<160x100xi32, #tpu.memory_space<vmem>> -> memref<1x100xi32, #tpu.memory_space<vmem>>
      %dma_start3A_555 = tpu.memref_squeeze %dma_start3A_554 : memref<1x100xi32, #tpu.memory_space<vmem>> -> memref<100xi32, #tpu.memory_space<vmem>>
      %dma_start3A_556 = arith.constant 0 : i32
      %dma_start3A_557 = arith.constant 0 : i32
      %dma_start3A_558 = tpu.memref_slice %arg2[%select_n3A_336, %dma_start3A_556, %dma_start3A_557] : memref<100x100x128xf32, #tpu.memory_space<hbm>> -> memref<1x100x128xf32, #tpu.memory_space<hbm>>
      %dma_start3A_559 = tpu.memref_squeeze %dma_start3A_558 : memref<1x100x128xf32, #tpu.memory_space<hbm>> -> memref<100x128xf32, #tpu.memory_space<hbm>>
      %dma_start3A_560 = arith.constant 0 : i32
      %dma_start3A_561 = arith.constant 0 : i32
      %dma_start3A_562 = tpu.memref_slice %dma_start3A_559[%dma_start3A_560, %dma_start3A_561] : memref<100x128xf32, #tpu.memory_space<hbm>> -> memref<100x128xf32, #tpu.memory_space<hbm>>
      tpu.enqueue_indirect_dma source(%dma_start3A_562 : memref<100x128xf32, #tpu.memory_space<hbm>>) target(%arg10 : memref<100x128xf32, #tpu.memory_space<vmem>>) offsets(%dma_start3A_555 : memref<100xi32, #tpu.memory_space<vmem>>) semaphore(%arg14 : memref<!tpu.dma_semaphore, #tpu.memory_space<semaphore_mem>>)
    } else {
    }
    %dma_wait3A_358 = arith.constant 0 : i32
    %dma_wait3A_359 = arith.constant 0 : i32
    %dma_wait3A_360 = tpu.memref_slice %arg6[%dma_wait3A_359] : memref<112xi32, #tpu.memory_space<vmem>> -> memref<100xi32, #tpu.memory_space<vmem>>
    %dma_wait3A_361 = arith.constant 0 : i32
    %dma_wait3A_362 = arith.constant 0 : i32
    %dma_wait3A_363 = tpu.memref_slice %arg2[%dma_wait3A_358, %dma_wait3A_361, %dma_wait3A_362] : memref<100x100x128xf32, #tpu.memory_space<hbm>> -> memref<1x100x128xf32, #tpu.memory_space<hbm>>
    %dma_wait3A_364 = tpu.memref_squeeze %dma_wait3A_363 : memref<1x100x128xf32, #tpu.memory_space<hbm>> -> memref<100x128xf32, #tpu.memory_space<hbm>>
    %dma_wait3A_365 = arith.constant 0 : i32
    %dma_wait3A_366 = arith.constant 0 : i32
    %dma_wait3A_367 = tpu.memref_slice %dma_wait3A_364[%dma_wait3A_365, %dma_wait3A_366] : memref<100x128xf32, #tpu.memory_space<hbm>> -> memref<100x128xf32, #tpu.memory_space<hbm>>
    tpu.wait_indirect_dma semaphore(%arg12 : memref<!tpu.dma_semaphore, #tpu.memory_space<semaphore_mem>>) src(%dma_wait3A_367 : memref<100x128xf32, #tpu.memory_space<hbm>>) dst(%arg8 : memref<100x128xf32, #tpu.memory_space<vmem>>)
    %add3A_368 = arith.constant 1 : i32
    %add3A_369 = arith.addi %select_n3A, %add3A_368 : i32
    %sub3A_370 = arith.constant 1 : i32
    %sub3A_371 = arith.subi %select_n3A_46, %sub3A_370 : i32
    %min3A_372 = arith.minsi %add3A_369, %sub3A_371 : i32
    %jit3A_373 = arith.constant 33 : i32
    %div3A_374 = arith.divsi %min3A_372, %jit3A_373 : i32
    %sign3A_375 = arith.constant 0 : i32
    %sign3A_376 = arith.cmpi sgt, %min3A_372, %sign3A_375 : i32
    %sign3A_377 = arith.extui %sign3A_376 : i1 to i32
    %sign3A_378 = arith.constant 0 : i32
    %sign3A_379 = arith.cmpi slt, %min3A_372, %sign3A_378 : i32
    %sign3A_380 = arith.extui %sign3A_379 : i1 to i32
    %sign3A_381 = arith.subi %sign3A_377, %sign3A_380 : i32
    %sign3A_382 = arith.constant 0 : i32
    %sign3A_383 = arith.cmpi sgt, %jit3A_373, %sign3A_382 : i32
    %sign3A_384 = arith.extui %sign3A_383 : i1 to i32
    %sign3A_385 = arith.constant 0 : i32
    %sign3A_386 = arith.cmpi slt, %jit3A_373, %sign3A_385 : i32
    %sign3A_387 = arith.extui %sign3A_386 : i1 to i32
    %sign3A_388 = arith.subi %sign3A_384, %sign3A_387 : i32
    %ne3A_389 = arith.cmpi ne, %sign3A_381, %sign3A_388 : i32
    %rem3A_390 = arith.remsi %min3A_372, %jit3A_373 : i32
    %ne3A_391 = arith.constant 0 : i32
    %ne3A_392 = arith.cmpi ne, %rem3A_390, %ne3A_391 : i32
    %and3A_393 = arith.andi %ne3A_389, %ne3A_392 : i1
    %sub3A_394 = arith.constant 1 : i32
    %sub3A_395 = arith.subi %div3A_374, %sub3A_394 : i32
    %select_n3A_396 = arith.select %and3A_393, %sub3A_395, %div3A_374 : i32
    %mul3A_397 = arith.constant 33 : i32
    %mul3A_398 = arith.muli %select_n3A_396, %mul3A_397 : i32
    %sub3A_399 = arith.subi %min3A_372, %mul3A_398 : i32
    %dma_start3A_400 = arith.constant 0 : i32
    %dma_start3A_401 = arith.constant 0 : i32
    %dma_start3A_402 = tpu.memref_slice %arg4[%select_n3A_396, %sub3A_399, %dma_start3A_400, %dma_start3A_401] : memref<100x33x100x128xf32, #tpu.memory_space<hbm>> -> memref<1x1x100x128xf32, #tpu.memory_space<hbm>>
    %dma_start3A_403 = tpu.memref_squeeze %dma_start3A_402 : memref<1x1x100x128xf32, #tpu.memory_space<hbm>> -> memref<100x128xf32, #tpu.memory_space<hbm>>
    %dma_start3A_404 = arith.constant 0 : i32
    %dma_start3A_405 = arith.constant 0 : i32
    %dma_start3A_406 = tpu.memref_slice %arg4[%select_n3A_396, %sub3A_399, %dma_start3A_404, %dma_start3A_405] : memref<100x33x100x128xf32, #tpu.memory_space<hbm>> -> memref<1x1x100x128xf32, #tpu.memory_space<hbm>>
    %dma_start3A_407 = tpu.memref_squeeze %dma_start3A_406 : memref<1x1x100x128xf32, #tpu.memory_space<hbm>> -> memref<100x128xf32, #tpu.memory_space<hbm>>
    tpu.enqueue_dma source(%arg8 : memref<100x128xf32, #tpu.memory_space<vmem>>) target(%dma_start3A_407 : memref<100x128xf32, #tpu.memory_space<hbm>>) target_semaphore(%arg16 : memref<!tpu.dma_semaphore, #tpu.memory_space<semaphore_mem>>)
    %scan3A = arith.constant 0 : i32
    %scan3A_408 = arith.constant 1 : i32
    %scan3A_409 = arith.constant 25 : i32
    %scan3A_410 = arith.addi %scan3A_408, %scan3A_409 : i32
    %scan3A_411 = arith.constant 1 : i32
    scf.for %scan3A_553 = %scan3A_408 to %scan3A_410 step %scan3A_411  : i32 {
      %mul3A_554 = arith.constant 4 : i32
      %mul3A_555 = arith.muli %mul3A_554, %scan3A_553 : i32
      %add3A_556 = arith.constant 0 : i32
      %add3A_557 = arith.addi %mul3A_555, %add3A_556 : i32
      %dma_wait3A_558 = arith.constant 0 : i32
      %dma_wait3A_559 = arith.constant 0 : i32
      %dma_wait3A_560 = arith.constant 0 : i32
      %dma_wait3A_561 = arith.constant 0 : i32
      %dma_wait3A_562 = tpu.memref_slice %arg4[%dma_wait3A_558, %dma_wait3A_559, %dma_wait3A_560, %dma_wait3A_561] : memref<100x33x100x128xf32, #tpu.memory_space<hbm>> -> memref<1x1x100x128xf32, #tpu.memory_space<hbm>>
      %dma_wait3A_563 = tpu.memref_squeeze %dma_wait3A_562 : memref<1x1x100x128xf32, #tpu.memory_space<hbm>> -> memref<100x128xf32, #tpu.memory_space<hbm>>
      %dma_wait3A_564 = arith.constant 0 : i32
      %dma_wait3A_565 = arith.constant 0 : i32
      %dma_wait3A_566 = tpu.memref_slice %arg4[%dma_wait3A_558, %dma_wait3A_559, %dma_wait3A_564, %dma_wait3A_565] : memref<100x33x100x128xf32, #tpu.memory_space<hbm>> -> memref<1x1x100x128xf32, #tpu.memory_space<hbm>>
      %dma_wait3A_567 = tpu.memref_squeeze %dma_wait3A_566 : memref<1x1x100x128xf32, #tpu.memory_space<hbm>> -> memref<100x128xf32, #tpu.memory_space<hbm>>
      tpu.wait_dma2 semaphore(%arg15 : memref<!tpu.dma_semaphore, #tpu.memory_space<semaphore_mem>>) src(%arg7 : memref<100x128xf32, #tpu.memory_space<vmem>>) dst(%dma_wait3A_567 : memref<100x128xf32, #tpu.memory_space<hbm>>)
      %add3A_568 = arith.addi %select_n3A, %add3A_557 : i32
      %sub3A_569 = arith.constant 1 : i32
      %sub3A_570 = arith.subi %select_n3A_46, %sub3A_569 : i32
      %min3A_571 = arith.minsi %add3A_568, %sub3A_570 : i32
      %jit3A_572 = arith.constant 33 : i32
      %div3A_573 = arith.divsi %min3A_571, %jit3A_572 : i32
      %sign3A_574 = arith.constant 0 : i32
      %sign3A_575 = arith.cmpi sgt, %min3A_571, %sign3A_574 : i32
      %sign3A_576 = arith.extui %sign3A_575 : i1 to i32
      %sign3A_577 = arith.constant 0 : i32
      %sign3A_578 = arith.cmpi slt, %min3A_571, %sign3A_577 : i32
      %sign3A_579 = arith.extui %sign3A_578 : i1 to i32
      %sign3A_580 = arith.subi %sign3A_576, %sign3A_579 : i32
      %sign3A_581 = arith.constant 0 : i32
      %sign3A_582 = arith.cmpi sgt, %jit3A_572, %sign3A_581 : i32
      %sign3A_583 = arith.extui %sign3A_582 : i1 to i32
      %sign3A_584 = arith.constant 0 : i32
      %sign3A_585 = arith.cmpi slt, %jit3A_572, %sign3A_584 : i32
      %sign3A_586 = arith.extui %sign3A_585 : i1 to i32
      %sign3A_587 = arith.subi %sign3A_583, %sign3A_586 : i32
      %ne3A_588 = arith.cmpi ne, %sign3A_580, %sign3A_587 : i32
      %rem3A_589 = arith.remsi %min3A_571, %jit3A_572 : i32
      %ne3A_590 = arith.constant 0 : i32
      %ne3A_591 = arith.cmpi ne, %rem3A_589, %ne3A_590 : i32
      %and3A_592 = arith.andi %ne3A_588, %ne3A_591 : i1
      %sub3A_593 = arith.constant 1 : i32
      %sub3A_594 = arith.subi %div3A_573, %sub3A_593 : i32
      %select_n3A_595 = arith.select %and3A_592, %sub3A_594, %div3A_573 : i32
      %mul3A_596 = arith.constant 33 : i32
      %mul3A_597 = arith.muli %select_n3A_595, %mul3A_596 : i32
      %sub3A_598 = arith.subi %min3A_571, %mul3A_597 : i32
      %mul3A_599 = arith.constant 32 : i32
      %mul3A_600 = arith.muli %select_n3A_595, %mul3A_599 : i32
      %add3A_601 = arith.addi %mul3A_600, %sub3A_598 : i32
      %sub3A_602 = arith.constant 1 : i32
      %sub3A_603 = arith.subi %add3A_601, %sub3A_602 : i32
      %sub3A_604 = arith.subi %sub3A_603, %multiple_of3A : i32
      %max3A_605 = arith.constant 0 : i32
      %max3A_606 = arith.maxsi %sub3A_604, %max3A_605 : i32
      %eq3A_607 = arith.constant 0 : i32
      %eq3A_608 = arith.cmpi eq, %sub3A_598, %eq3A_607 : i32
      %convert_element_type3A_609 = arith.extui %eq3A_608 : i1 to i32
      %cond3A_610 = arith.constant 0 : i32
      %cond3A_611 = arith.cmpi ne, %convert_element_type3A_609, %cond3A_610 : i32
      scf.if %cond3A_611 {
        %dma_start3A_1010 = arith.constant 0 : i32
        %dma_start3A_1011 = tpu.memref_slice %arg6[%dma_start3A_1010] : memref<112xi32, #tpu.memory_space<vmem>> -> memref<100xi32, #tpu.memory_space<vmem>>
        %dma_start3A_1012 = arith.constant 0 : i32
        %dma_start3A_1013 = arith.constant 0 : i32
        %dma_start3A_1014 = tpu.memref_slice %arg2[%select_n3A_595, %dma_start3A_1012, %dma_start3A_1013] : memref<100x100x128xf32, #tpu.memory_space<hbm>> -> memref<1x100x128xf32, #tpu.memory_space<hbm>>
        %dma_start3A_1015 = tpu.memref_squeeze %dma_start3A_1014 : memref<1x100x128xf32, #tpu.memory_space<hbm>> -> memref<100x128xf32, #tpu.memory_space<hbm>>
        %dma_start3A_1016 = arith.constant 0 : i32
        %dma_start3A_1017 = arith.constant 0 : i32
        %dma_start3A_1018 = tpu.memref_slice %dma_start3A_1015[%dma_start3A_1016, %dma_start3A_1017] : memref<100x128xf32, #tpu.memory_space<hbm>> -> memref<100x128xf32, #tpu.memory_space<hbm>>
        tpu.enqueue_indirect_dma source(%dma_start3A_1018 : memref<100x128xf32, #tpu.memory_space<hbm>>) target(%arg7 : memref<100x128xf32, #tpu.memory_space<vmem>>) offsets(%dma_start3A_1011 : memref<100xi32, #tpu.memory_space<vmem>>) semaphore(%arg11 : memref<!tpu.dma_semaphore, #tpu.memory_space<semaphore_mem>>)
      } else {
      }
      %ne3A_612 = arith.constant 0 : i32
      %ne3A_613 = arith.cmpi ne, %sub3A_598, %ne3A_612 : i32
      %convert_element_type3A_614 = arith.extui %ne3A_613 : i1 to i32
      %cond3A_615 = arith.constant 0 : i32
      %cond3A_616 = arith.cmpi ne, %convert_element_type3A_614, %cond3A_615 : i32
      scf.if %cond3A_616 {
        %dma_start3A_1010 = arith.constant 0 : i32
        %dma_start3A_1011 = tpu.memref_slice %arg5[%max3A_606, %dma_start3A_1010] : memref<160x100xi32, #tpu.memory_space<vmem>> -> memref<1x100xi32, #tpu.memory_space<vmem>>
        %dma_start3A_1012 = tpu.memref_squeeze %dma_start3A_1011 : memref<1x100xi32, #tpu.memory_space<vmem>> -> memref<100xi32, #tpu.memory_space<vmem>>
        %dma_start3A_1013 = arith.constant 0 : i32
        %dma_start3A_1014 = arith.constant 0 : i32
        %dma_start3A_1015 = tpu.memref_slice %arg2[%select_n3A_595, %dma_start3A_1013, %dma_start3A_1014] : memref<100x100x128xf32, #tpu.memory_space<hbm>> -> memref<1x100x128xf32, #tpu.memory_space<hbm>>
        %dma_start3A_1016 = tpu.memref_squeeze %dma_start3A_1015 : memref<1x100x128xf32, #tpu.memory_space<hbm>> -> memref<100x128xf32, #tpu.memory_space<hbm>>
        %dma_start3A_1017 = arith.constant 0 : i32
        %dma_start3A_1018 = arith.constant 0 : i32
        %dma_start3A_1019 = tpu.memref_slice %dma_start3A_1016[%dma_start3A_1017, %dma_start3A_1018] : memref<100x128xf32, #tpu.memory_space<hbm>> -> memref<100x128xf32, #tpu.memory_space<hbm>>
        tpu.enqueue_indirect_dma source(%dma_start3A_1019 : memref<100x128xf32, #tpu.memory_space<hbm>>) target(%arg7 : memref<100x128xf32, #tpu.memory_space<vmem>>) offsets(%dma_start3A_1012 : memref<100xi32, #tpu.memory_space<vmem>>) semaphore(%arg11 : memref<!tpu.dma_semaphore, #tpu.memory_space<semaphore_mem>>)
      } else {
      }
      %dma_wait3A_617 = arith.constant 0 : i32
      %dma_wait3A_618 = arith.constant 0 : i32
      %dma_wait3A_619 = tpu.memref_slice %arg6[%dma_wait3A_618] : memref<112xi32, #tpu.memory_space<vmem>> -> memref<100xi32, #tpu.memory_space<vmem>>
      %dma_wait3A_620 = arith.constant 0 : i32
      %dma_wait3A_621 = arith.constant 0 : i32
      %dma_wait3A_622 = tpu.memref_slice %arg2[%dma_wait3A_617, %dma_wait3A_620, %dma_wait3A_621] : memref<100x100x128xf32, #tpu.memory_space<hbm>> -> memref<1x100x128xf32, #tpu.memory_space<hbm>>
      %dma_wait3A_623 = tpu.memref_squeeze %dma_wait3A_622 : memref<1x100x128xf32, #tpu.memory_space<hbm>> -> memref<100x128xf32, #tpu.memory_space<hbm>>
      %dma_wait3A_624 = arith.constant 0 : i32
      %dma_wait3A_625 = arith.constant 0 : i32
      %dma_wait3A_626 = tpu.memref_slice %dma_wait3A_623[%dma_wait3A_624, %dma_wait3A_625] : memref<100x128xf32, #tpu.memory_space<hbm>> -> memref<100x128xf32, #tpu.memory_space<hbm>>
      tpu.wait_indirect_dma semaphore(%arg13 : memref<!tpu.dma_semaphore, #tpu.memory_space<semaphore_mem>>) src(%dma_wait3A_626 : memref<100x128xf32, #tpu.memory_space<hbm>>) dst(%arg9 : memref<100x128xf32, #tpu.memory_space<vmem>>)
      %sub3A_627 = arith.constant 2 : i32
      %sub3A_628 = arith.subi %add3A_557, %sub3A_627 : i32
      %add3A_629 = arith.addi %select_n3A, %sub3A_628 : i32
      %sub3A_630 = arith.constant 1 : i32
      %sub3A_631 = arith.subi %select_n3A_46, %sub3A_630 : i32
      %min3A_632 = arith.minsi %add3A_629, %sub3A_631 : i32
      %jit3A_633 = arith.constant 33 : i32
      %div3A_634 = arith.divsi %min3A_632, %jit3A_633 : i32
      %sign3A_635 = arith.constant 0 : i32
      %sign3A_636 = arith.cmpi sgt, %min3A_632, %sign3A_635 : i32
      %sign3A_637 = arith.extui %sign3A_636 : i1 to i32
      %sign3A_638 = arith.constant 0 : i32
      %sign3A_639 = arith.cmpi slt, %min3A_632, %sign3A_638 : i32
      %sign3A_640 = arith.extui %sign3A_639 : i1 to i32
      %sign3A_641 = arith.subi %sign3A_637, %sign3A_640 : i32
      %sign3A_642 = arith.constant 0 : i32
      %sign3A_643 = arith.cmpi sgt, %jit3A_633, %sign3A_642 : i32
      %sign3A_644 = arith.extui %sign3A_643 : i1 to i32
      %sign3A_645 = arith.constant 0 : i32
      %sign3A_646 = arith.cmpi slt, %jit3A_633, %sign3A_645 : i32
      %sign3A_647 = arith.extui %sign3A_646 : i1 to i32
      %sign3A_648 = arith.subi %sign3A_644, %sign3A_647 : i32
      %ne3A_649 = arith.cmpi ne, %sign3A_641, %sign3A_648 : i32
      %rem3A_650 = arith.remsi %min3A_632, %jit3A_633 : i32
      %ne3A_651 = arith.constant 0 : i32
      %ne3A_652 = arith.cmpi ne, %rem3A_650, %ne3A_651 : i32
      %and3A_653 = arith.andi %ne3A_649, %ne3A_652 : i1
      %sub3A_654 = arith.constant 1 : i32
      %sub3A_655 = arith.subi %div3A_634, %sub3A_654 : i32
      %select_n3A_656 = arith.select %and3A_653, %sub3A_655, %div3A_634 : i32
      %mul3A_657 = arith.constant 33 : i32
      %mul3A_658 = arith.muli %select_n3A_656, %mul3A_657 : i32
      %sub3A_659 = arith.subi %min3A_632, %mul3A_658 : i32
      %dma_start3A_660 = arith.constant 0 : i32
      %dma_start3A_661 = arith.constant 0 : i32
      %dma_start3A_662 = tpu.memref_slice %arg4[%select_n3A_656, %sub3A_659, %dma_start3A_660, %dma_start3A_661] : memref<100x33x100x128xf32, #tpu.memory_space<hbm>> -> memref<1x1x100x128xf32, #tpu.memory_space<hbm>>
      %dma_start3A_663 = tpu.memref_squeeze %dma_start3A_662 : memref<1x1x100x128xf32, #tpu.memory_space<hbm>> -> memref<100x128xf32, #tpu.memory_space<hbm>>
      %dma_start3A_664 = arith.constant 0 : i32
      %dma_start3A_665 = arith.constant 0 : i32
      %dma_start3A_666 = tpu.memref_slice %arg4[%select_n3A_656, %sub3A_659, %dma_start3A_664, %dma_start3A_665] : memref<100x33x100x128xf32, #tpu.memory_space<hbm>> -> memref<1x1x100x128xf32, #tpu.memory_space<hbm>>
      %dma_start3A_667 = tpu.memref_squeeze %dma_start3A_666 : memref<1x1x100x128xf32, #tpu.memory_space<hbm>> -> memref<100x128xf32, #tpu.memory_space<hbm>>
      tpu.enqueue_dma source(%arg9 : memref<100x128xf32, #tpu.memory_space<vmem>>) target(%dma_start3A_667 : memref<100x128xf32, #tpu.memory_space<hbm>>) target_semaphore(%arg17 : memref<!tpu.dma_semaphore, #tpu.memory_space<semaphore_mem>>)
      %mul3A_668 = arith.constant 4 : i32
      %mul3A_669 = arith.muli %mul3A_668, %scan3A_553 : i32
      %add3A_670 = arith.constant 1 : i32
      %add3A_671 = arith.addi %mul3A_669, %add3A_670 : i32
      %dma_wait3A_672 = arith.constant 0 : i32
      %dma_wait3A_673 = arith.constant 0 : i32
      %dma_wait3A_674 = arith.constant 0 : i32
      %dma_wait3A_675 = arith.constant 0 : i32
      %dma_wait3A_676 = tpu.memref_slice %arg4[%dma_wait3A_672, %dma_wait3A_673, %dma_wait3A_674, %dma_wait3A_675] : memref<100x33x100x128xf32, #tpu.memory_space<hbm>> -> memref<1x1x100x128xf32, #tpu.memory_space<hbm>>
      %dma_wait3A_677 = tpu.memref_squeeze %dma_wait3A_676 : memref<1x1x100x128xf32, #tpu.memory_space<hbm>> -> memref<100x128xf32, #tpu.memory_space<hbm>>
      %dma_wait3A_678 = arith.constant 0 : i32
      %dma_wait3A_679 = arith.constant 0 : i32
      %dma_wait3A_680 = tpu.memref_slice %arg4[%dma_wait3A_672, %dma_wait3A_673, %dma_wait3A_678, %dma_wait3A_679] : memref<100x33x100x128xf32, #tpu.memory_space<hbm>> -> memref<1x1x100x128xf32, #tpu.memory_space<hbm>>
      %dma_wait3A_681 = tpu.memref_squeeze %dma_wait3A_680 : memref<1x1x100x128xf32, #tpu.memory_space<hbm>> -> memref<100x128xf32, #tpu.memory_space<hbm>>
      tpu.wait_dma2 semaphore(%arg16 : memref<!tpu.dma_semaphore, #tpu.memory_space<semaphore_mem>>) src(%arg8 : memref<100x128xf32, #tpu.memory_space<vmem>>) dst(%dma_wait3A_681 : memref<100x128xf32, #tpu.memory_space<hbm>>)
      %add3A_682 = arith.addi %select_n3A, %add3A_671 : i32
      %sub3A_683 = arith.constant 1 : i32
      %sub3A_684 = arith.subi %select_n3A_46, %sub3A_683 : i32
      %min3A_685 = arith.minsi %add3A_682, %sub3A_684 : i32
      %jit3A_686 = arith.constant 33 : i32
      %div3A_687 = arith.divsi %min3A_685, %jit3A_686 : i32
      %sign3A_688 = arith.constant 0 : i32
      %sign3A_689 = arith.cmpi sgt, %min3A_685, %sign3A_688 : i32
      %sign3A_690 = arith.extui %sign3A_689 : i1 to i32
      %sign3A_691 = arith.constant 0 : i32
      %sign3A_692 = arith.cmpi slt, %min3A_685, %sign3A_691 : i32
      %sign3A_693 = arith.extui %sign3A_692 : i1 to i32
      %sign3A_694 = arith.subi %sign3A_690, %sign3A_693 : i32
      %sign3A_695 = arith.constant 0 : i32
      %sign3A_696 = arith.cmpi sgt, %jit3A_686, %sign3A_695 : i32
      %sign3A_697 = arith.extui %sign3A_696 : i1 to i32
      %sign3A_698 = arith.constant 0 : i32
      %sign3A_699 = arith.cmpi slt, %jit3A_686, %sign3A_698 : i32
      %sign3A_700 = arith.extui %sign3A_699 : i1 to i32
      %sign3A_701 = arith.subi %sign3A_697, %sign3A_700 : i32
      %ne3A_702 = arith.cmpi ne, %sign3A_694, %sign3A_701 : i32
      %rem3A_703 = arith.remsi %min3A_685, %jit3A_686 : i32
      %ne3A_704 = arith.constant 0 : i32
      %ne3A_705 = arith.cmpi ne, %rem3A_703, %ne3A_704 : i32
      %and3A_706 = arith.andi %ne3A_702, %ne3A_705 : i1
      %sub3A_707 = arith.constant 1 : i32
      %sub3A_708 = arith.subi %div3A_687, %sub3A_707 : i32
      %select_n3A_709 = arith.select %and3A_706, %sub3A_708, %div3A_687 : i32
      %mul3A_710 = arith.constant 33 : i32
      %mul3A_711 = arith.muli %select_n3A_709, %mul3A_710 : i32
      %sub3A_712 = arith.subi %min3A_685, %mul3A_711 : i32
      %mul3A_713 = arith.constant 32 : i32
      %mul3A_714 = arith.muli %select_n3A_709, %mul3A_713 : i32
      %add3A_715 = arith.addi %mul3A_714, %sub3A_712 : i32
      %sub3A_716 = arith.constant 1 : i32
      %sub3A_717 = arith.subi %add3A_715, %sub3A_716 : i32
      %sub3A_718 = arith.subi %sub3A_717, %multiple_of3A : i32
      %max3A_719 = arith.constant 0 : i32
      %max3A_720 = arith.maxsi %sub3A_718, %max3A_719 : i32
      %eq3A_721 = arith.constant 0 : i32
      %eq3A_722 = arith.cmpi eq, %sub3A_712, %eq3A_721 : i32
      %convert_element_type3A_723 = arith.extui %eq3A_722 : i1 to i32
      %cond3A_724 = arith.constant 0 : i32
      %cond3A_725 = arith.cmpi ne, %convert_element_type3A_723, %cond3A_724 : i32
      scf.if %cond3A_725 {
        %dma_start3A_1010 = arith.constant 0 : i32
        %dma_start3A_1011 = tpu.memref_slice %arg6[%dma_start3A_1010] : memref<112xi32, #tpu.memory_space<vmem>> -> memref<100xi32, #tpu.memory_space<vmem>>
        %dma_start3A_1012 = arith.constant 0 : i32
        %dma_start3A_1013 = arith.constant 0 : i32
        %dma_start3A_1014 = tpu.memref_slice %arg2[%select_n3A_709, %dma_start3A_1012, %dma_start3A_1013] : memref<100x100x128xf32, #tpu.memory_space<hbm>> -> memref<1x100x128xf32, #tpu.memory_space<hbm>>
        %dma_start3A_1015 = tpu.memref_squeeze %dma_start3A_1014 : memref<1x100x128xf32, #tpu.memory_space<hbm>> -> memref<100x128xf32, #tpu.memory_space<hbm>>
        %dma_start3A_1016 = arith.constant 0 : i32
        %dma_start3A_1017 = arith.constant 0 : i32
        %dma_start3A_1018 = tpu.memref_slice %dma_start3A_1015[%dma_start3A_1016, %dma_start3A_1017] : memref<100x128xf32, #tpu.memory_space<hbm>> -> memref<100x128xf32, #tpu.memory_space<hbm>>
        tpu.enqueue_indirect_dma source(%dma_start3A_1018 : memref<100x128xf32, #tpu.memory_space<hbm>>) target(%arg8 : memref<100x128xf32, #tpu.memory_space<vmem>>) offsets(%dma_start3A_1011 : memref<100xi32, #tpu.memory_space<vmem>>) semaphore(%arg12 : memref<!tpu.dma_semaphore, #tpu.memory_space<semaphore_mem>>)
      } else {
      }
      %ne3A_726 = arith.constant 0 : i32
      %ne3A_727 = arith.cmpi ne, %sub3A_712, %ne3A_726 : i32
      %convert_element_type3A_728 = arith.extui %ne3A_727 : i1 to i32
      %cond3A_729 = arith.constant 0 : i32
      %cond3A_730 = arith.cmpi ne, %convert_element_type3A_728, %cond3A_729 : i32
      scf.if %cond3A_730 {
        %dma_start3A_1010 = arith.constant 0 : i32
        %dma_start3A_1011 = tpu.memref_slice %arg5[%max3A_720, %dma_start3A_1010] : memref<160x100xi32, #tpu.memory_space<vmem>> -> memref<1x100xi32, #tpu.memory_space<vmem>>
        %dma_start3A_1012 = tpu.memref_squeeze %dma_start3A_1011 : memref<1x100xi32, #tpu.memory_space<vmem>> -> memref<100xi32, #tpu.memory_space<vmem>>
        %dma_start3A_1013 = arith.constant 0 : i32
        %dma_start3A_1014 = arith.constant 0 : i32
        %dma_start3A_1015 = tpu.memref_slice %arg2[%select_n3A_709, %dma_start3A_1013, %dma_start3A_1014] : memref<100x100x128xf32, #tpu.memory_space<hbm>> -> memref<1x100x128xf32, #tpu.memory_space<hbm>>
        %dma_start3A_1016 = tpu.memref_squeeze %dma_start3A_1015 : memref<1x100x128xf32, #tpu.memory_space<hbm>> -> memref<100x128xf32, #tpu.memory_space<hbm>>
        %dma_start3A_1017 = arith.constant 0 : i32
        %dma_start3A_1018 = arith.constant 0 : i32
        %dma_start3A_1019 = tpu.memref_slice %dma_start3A_1016[%dma_start3A_1017, %dma_start3A_1018] : memref<100x128xf32, #tpu.memory_space<hbm>> -> memref<100x128xf32, #tpu.memory_space<hbm>>
        tpu.enqueue_indirect_dma source(%dma_start3A_1019 : memref<100x128xf32, #tpu.memory_space<hbm>>) target(%arg8 : memref<100x128xf32, #tpu.memory_space<vmem>>) offsets(%dma_start3A_1012 : memref<100xi32, #tpu.memory_space<vmem>>) semaphore(%arg12 : memref<!tpu.dma_semaphore, #tpu.memory_space<semaphore_mem>>)
      } else {
      }
      %dma_wait3A_731 = arith.constant 0 : i32
      %dma_wait3A_732 = arith.constant 0 : i32
      %dma_wait3A_733 = tpu.memref_slice %arg6[%dma_wait3A_732] : memref<112xi32, #tpu.memory_space<vmem>> -> memref<100xi32, #tpu.memory_space<vmem>>
      %dma_wait3A_734 = arith.constant 0 : i32
      %dma_wait3A_735 = arith.constant 0 : i32
      %dma_wait3A_736 = tpu.memref_slice %arg2[%dma_wait3A_731, %dma_wait3A_734, %dma_wait3A_735] : memref<100x100x128xf32, #tpu.memory_space<hbm>> -> memref<1x100x128xf32, #tpu.memory_space<hbm>>
      %dma_wait3A_737 = tpu.memref_squeeze %dma_wait3A_736 : memref<1x100x128xf32, #tpu.memory_space<hbm>> -> memref<100x128xf32, #tpu.memory_space<hbm>>
      %dma_wait3A_738 = arith.constant 0 : i32
      %dma_wait3A_739 = arith.constant 0 : i32
      %dma_wait3A_740 = tpu.memref_slice %dma_wait3A_737[%dma_wait3A_738, %dma_wait3A_739] : memref<100x128xf32, #tpu.memory_space<hbm>> -> memref<100x128xf32, #tpu.memory_space<hbm>>
      tpu.wait_indirect_dma semaphore(%arg14 : memref<!tpu.dma_semaphore, #tpu.memory_space<semaphore_mem>>) src(%dma_wait3A_740 : memref<100x128xf32, #tpu.memory_space<hbm>>) dst(%arg10 : memref<100x128xf32, #tpu.memory_space<vmem>>)
      %sub3A_741 = arith.constant 2 : i32
      %sub3A_742 = arith.subi %add3A_671, %sub3A_741 : i32
      %add3A_743 = arith.addi %select_n3A, %sub3A_742 : i32
      %sub3A_744 = arith.constant 1 : i32
      %sub3A_745 = arith.subi %select_n3A_46, %sub3A_744 : i32
      %min3A_746 = arith.minsi %add3A_743, %sub3A_745 : i32
      %jit3A_747 = arith.constant 33 : i32
      %div3A_748 = arith.divsi %min3A_746, %jit3A_747 : i32
      %sign3A_749 = arith.constant 0 : i32
      %sign3A_750 = arith.cmpi sgt, %min3A_746, %sign3A_749 : i32
      %sign3A_751 = arith.extui %sign3A_750 : i1 to i32
      %sign3A_752 = arith.constant 0 : i32
      %sign3A_753 = arith.cmpi slt, %min3A_746, %sign3A_752 : i32
      %sign3A_754 = arith.extui %sign3A_753 : i1 to i32
      %sign3A_755 = arith.subi %sign3A_751, %sign3A_754 : i32
      %sign3A_756 = arith.constant 0 : i32
      %sign3A_757 = arith.cmpi sgt, %jit3A_747, %sign3A_756 : i32
      %sign3A_758 = arith.extui %sign3A_757 : i1 to i32
      %sign3A_759 = arith.constant 0 : i32
      %sign3A_760 = arith.cmpi slt, %jit3A_747, %sign3A_759 : i32
      %sign3A_761 = arith.extui %sign3A_760 : i1 to i32
      %sign3A_762 = arith.subi %sign3A_758, %sign3A_761 : i32
      %ne3A_763 = arith.cmpi ne, %sign3A_755, %sign3A_762 : i32
      %rem3A_764 = arith.remsi %min3A_746, %jit3A_747 : i32
      %ne3A_765 = arith.constant 0 : i32
      %ne3A_766 = arith.cmpi ne, %rem3A_764, %ne3A_765 : i32
      %and3A_767 = arith.andi %ne3A_763, %ne3A_766 : i1
      %sub3A_768 = arith.constant 1 : i32
      %sub3A_769 = arith.subi %div3A_748, %sub3A_768 : i32
      %select_n3A_770 = arith.select %and3A_767, %sub3A_769, %div3A_748 : i32
      %mul3A_771 = arith.constant 33 : i32
      %mul3A_772 = arith.muli %select_n3A_770, %mul3A_771 : i32
      %sub3A_773 = arith.subi %min3A_746, %mul3A_772 : i32
      %dma_start3A_774 = arith.constant 0 : i32
      %dma_start3A_775 = arith.constant 0 : i32
      %dma_start3A_776 = tpu.memref_slice %arg4[%select_n3A_770, %sub3A_773, %dma_start3A_774, %dma_start3A_775] : memref<100x33x100x128xf32, #tpu.memory_space<hbm>> -> memref<1x1x100x128xf32, #tpu.memory_space<hbm>>
      %dma_start3A_777 = tpu.memref_squeeze %dma_start3A_776 : memref<1x1x100x128xf32, #tpu.memory_space<hbm>> -> memref<100x128xf32, #tpu.memory_space<hbm>>
      %dma_start3A_778 = arith.constant 0 : i32
      %dma_start3A_779 = arith.constant 0 : i32
      %dma_start3A_780 = tpu.memref_slice %arg4[%select_n3A_770, %sub3A_773, %dma_start3A_778, %dma_start3A_779] : memref<100x33x100x128xf32, #tpu.memory_space<hbm>> -> memref<1x1x100x128xf32, #tpu.memory_space<hbm>>
      %dma_start3A_781 = tpu.memref_squeeze %dma_start3A_780 : memref<1x1x100x128xf32, #tpu.memory_space<hbm>> -> memref<100x128xf32, #tpu.memory_space<hbm>>
      tpu.enqueue_dma source(%arg10 : memref<100x128xf32, #tpu.memory_space<vmem>>) target(%dma_start3A_781 : memref<100x128xf32, #tpu.memory_space<hbm>>) target_semaphore(%arg18 : memref<!tpu.dma_semaphore, #tpu.memory_space<semaphore_mem>>)
      %mul3A_782 = arith.constant 4 : i32
      %mul3A_783 = arith.muli %mul3A_782, %scan3A_553 : i32
      %add3A_784 = arith.constant 2 : i32
      %add3A_785 = arith.addi %mul3A_783, %add3A_784 : i32
      %dma_wait3A_786 = arith.constant 0 : i32
      %dma_wait3A_787 = arith.constant 0 : i32
      %dma_wait3A_788 = arith.constant 0 : i32
      %dma_wait3A_789 = arith.constant 0 : i32
      %dma_wait3A_790 = tpu.memref_slice %arg4[%dma_wait3A_786, %dma_wait3A_787, %dma_wait3A_788, %dma_wait3A_789] : memref<100x33x100x128xf32, #tpu.memory_space<hbm>> -> memref<1x1x100x128xf32, #tpu.memory_space<hbm>>
      %dma_wait3A_791 = tpu.memref_squeeze %dma_wait3A_790 : memref<1x1x100x128xf32, #tpu.memory_space<hbm>> -> memref<100x128xf32, #tpu.memory_space<hbm>>
      %dma_wait3A_792 = arith.constant 0 : i32
      %dma_wait3A_793 = arith.constant 0 : i32
      %dma_wait3A_794 = tpu.memref_slice %arg4[%dma_wait3A_786, %dma_wait3A_787, %dma_wait3A_792, %dma_wait3A_793] : memref<100x33x100x128xf32, #tpu.memory_space<hbm>> -> memref<1x1x100x128xf32, #tpu.memory_space<hbm>>
      %dma_wait3A_795 = tpu.memref_squeeze %dma_wait3A_794 : memref<1x1x100x128xf32, #tpu.memory_space<hbm>> -> memref<100x128xf32, #tpu.memory_space<hbm>>
      tpu.wait_dma2 semaphore(%arg17 : memref<!tpu.dma_semaphore, #tpu.memory_space<semaphore_mem>>) src(%arg9 : memref<100x128xf32, #tpu.memory_space<vmem>>) dst(%dma_wait3A_795 : memref<100x128xf32, #tpu.memory_space<hbm>>)
      %add3A_796 = arith.addi %select_n3A, %add3A_785 : i32
      %sub3A_797 = arith.constant 1 : i32
      %sub3A_798 = arith.subi %select_n3A_46, %sub3A_797 : i32
      %min3A_799 = arith.minsi %add3A_796, %sub3A_798 : i32
      %jit3A_800 = arith.constant 33 : i32
      %div3A_801 = arith.divsi %min3A_799, %jit3A_800 : i32
      %sign3A_802 = arith.constant 0 : i32
      %sign3A_803 = arith.cmpi sgt, %min3A_799, %sign3A_802 : i32
      %sign3A_804 = arith.extui %sign3A_803 : i1 to i32
      %sign3A_805 = arith.constant 0 : i32
      %sign3A_806 = arith.cmpi slt, %min3A_799, %sign3A_805 : i32
      %sign3A_807 = arith.extui %sign3A_806 : i1 to i32
      %sign3A_808 = arith.subi %sign3A_804, %sign3A_807 : i32
      %sign3A_809 = arith.constant 0 : i32
      %sign3A_810 = arith.cmpi sgt, %jit3A_800, %sign3A_809 : i32
      %sign3A_811 = arith.extui %sign3A_810 : i1 to i32
      %sign3A_812 = arith.constant 0 : i32
      %sign3A_813 = arith.cmpi slt, %jit3A_800, %sign3A_812 : i32
      %sign3A_814 = arith.extui %sign3A_813 : i1 to i32
      %sign3A_815 = arith.subi %sign3A_811, %sign3A_814 : i32
      %ne3A_816 = arith.cmpi ne, %sign3A_808, %sign3A_815 : i32
      %rem3A_817 = arith.remsi %min3A_799, %jit3A_800 : i32
      %ne3A_818 = arith.constant 0 : i32
      %ne3A_819 = arith.cmpi ne, %rem3A_817, %ne3A_818 : i32
      %and3A_820 = arith.andi %ne3A_816, %ne3A_819 : i1
      %sub3A_821 = arith.constant 1 : i32
      %sub3A_822 = arith.subi %div3A_801, %sub3A_821 : i32
      %select_n3A_823 = arith.select %and3A_820, %sub3A_822, %div3A_801 : i32
      %mul3A_824 = arith.constant 33 : i32
      %mul3A_825 = arith.muli %select_n3A_823, %mul3A_824 : i32
      %sub3A_826 = arith.subi %min3A_799, %mul3A_825 : i32
      %mul3A_827 = arith.constant 32 : i32
      %mul3A_828 = arith.muli %select_n3A_823, %mul3A_827 : i32
      %add3A_829 = arith.addi %mul3A_828, %sub3A_826 : i32
      %sub3A_830 = arith.constant 1 : i32
      %sub3A_831 = arith.subi %add3A_829, %sub3A_830 : i32
      %sub3A_832 = arith.subi %sub3A_831, %multiple_of3A : i32
      %max3A_833 = arith.constant 0 : i32
      %max3A_834 = arith.maxsi %sub3A_832, %max3A_833 : i32
      %eq3A_835 = arith.constant 0 : i32
      %eq3A_836 = arith.cmpi eq, %sub3A_826, %eq3A_835 : i32
      %convert_element_type3A_837 = arith.extui %eq3A_836 : i1 to i32
      %cond3A_838 = arith.constant 0 : i32
      %cond3A_839 = arith.cmpi ne, %convert_element_type3A_837, %cond3A_838 : i32
      scf.if %cond3A_839 {
        %dma_start3A_1010 = arith.constant 0 : i32
        %dma_start3A_1011 = tpu.memref_slice %arg6[%dma_start3A_1010] : memref<112xi32, #tpu.memory_space<vmem>> -> memref<100xi32, #tpu.memory_space<vmem>>
        %dma_start3A_1012 = arith.constant 0 : i32
        %dma_start3A_1013 = arith.constant 0 : i32
        %dma_start3A_1014 = tpu.memref_slice %arg2[%select_n3A_823, %dma_start3A_1012, %dma_start3A_1013] : memref<100x100x128xf32, #tpu.memory_space<hbm>> -> memref<1x100x128xf32, #tpu.memory_space<hbm>>
        %dma_start3A_1015 = tpu.memref_squeeze %dma_start3A_1014 : memref<1x100x128xf32, #tpu.memory_space<hbm>> -> memref<100x128xf32, #tpu.memory_space<hbm>>
        %dma_start3A_1016 = arith.constant 0 : i32
        %dma_start3A_1017 = arith.constant 0 : i32
        %dma_start3A_1018 = tpu.memref_slice %dma_start3A_1015[%dma_start3A_1016, %dma_start3A_1017] : memref<100x128xf32, #tpu.memory_space<hbm>> -> memref<100x128xf32, #tpu.memory_space<hbm>>
        tpu.enqueue_indirect_dma source(%dma_start3A_1018 : memref<100x128xf32, #tpu.memory_space<hbm>>) target(%arg9 : memref<100x128xf32, #tpu.memory_space<vmem>>) offsets(%dma_start3A_1011 : memref<100xi32, #tpu.memory_space<vmem>>) semaphore(%arg13 : memref<!tpu.dma_semaphore, #tpu.memory_space<semaphore_mem>>)
      } else {
      }
      %ne3A_840 = arith.constant 0 : i32
      %ne3A_841 = arith.cmpi ne, %sub3A_826, %ne3A_840 : i32
      %convert_element_type3A_842 = arith.extui %ne3A_841 : i1 to i32
      %cond3A_843 = arith.constant 0 : i32
      %cond3A_844 = arith.cmpi ne, %convert_element_type3A_842, %cond3A_843 : i32
      scf.if %cond3A_844 {
        %dma_start3A_1010 = arith.constant 0 : i32
        %dma_start3A_1011 = tpu.memref_slice %arg5[%max3A_834, %dma_start3A_1010] : memref<160x100xi32, #tpu.memory_space<vmem>> -> memref<1x100xi32, #tpu.memory_space<vmem>>
        %dma_start3A_1012 = tpu.memref_squeeze %dma_start3A_1011 : memref<1x100xi32, #tpu.memory_space<vmem>> -> memref<100xi32, #tpu.memory_space<vmem>>
        %dma_start3A_1013 = arith.constant 0 : i32
        %dma_start3A_1014 = arith.constant 0 : i32
        %dma_start3A_1015 = tpu.memref_slice %arg2[%select_n3A_823, %dma_start3A_1013, %dma_start3A_1014] : memref<100x100x128xf32, #tpu.memory_space<hbm>> -> memref<1x100x128xf32, #tpu.memory_space<hbm>>
        %dma_start3A_1016 = tpu.memref_squeeze %dma_start3A_1015 : memref<1x100x128xf32, #tpu.memory_space<hbm>> -> memref<100x128xf32, #tpu.memory_space<hbm>>
        %dma_start3A_1017 = arith.constant 0 : i32
        %dma_start3A_1018 = arith.constant 0 : i32
        %dma_start3A_1019 = tpu.memref_slice %dma_start3A_1016[%dma_start3A_1017, %dma_start3A_1018] : memref<100x128xf32, #tpu.memory_space<hbm>> -> memref<100x128xf32, #tpu.memory_space<hbm>>
        tpu.enqueue_indirect_dma source(%dma_start3A_1019 : memref<100x128xf32, #tpu.memory_space<hbm>>) target(%arg9 : memref<100x128xf32, #tpu.memory_space<vmem>>) offsets(%dma_start3A_1012 : memref<100xi32, #tpu.memory_space<vmem>>) semaphore(%arg13 : memref<!tpu.dma_semaphore, #tpu.memory_space<semaphore_mem>>)
      } else {
      }
      %dma_wait3A_845 = arith.constant 0 : i32
      %dma_wait3A_846 = arith.constant 0 : i32
      %dma_wait3A_847 = tpu.memref_slice %arg6[%dma_wait3A_846] : memref<112xi32, #tpu.memory_space<vmem>> -> memref<100xi32, #tpu.memory_space<vmem>>
      %dma_wait3A_848 = arith.constant 0 : i32
      %dma_wait3A_849 = arith.constant 0 : i32
      %dma_wait3A_850 = tpu.memref_slice %arg2[%dma_wait3A_845, %dma_wait3A_848, %dma_wait3A_849] : memref<100x100x128xf32, #tpu.memory_space<hbm>> -> memref<1x100x128xf32, #tpu.memory_space<hbm>>
      %dma_wait3A_851 = tpu.memref_squeeze %dma_wait3A_850 : memref<1x100x128xf32, #tpu.memory_space<hbm>> -> memref<100x128xf32, #tpu.memory_space<hbm>>
      %dma_wait3A_852 = arith.constant 0 : i32
      %dma_wait3A_853 = arith.constant 0 : i32
      %dma_wait3A_854 = tpu.memref_slice %dma_wait3A_851[%dma_wait3A_852, %dma_wait3A_853] : memref<100x128xf32, #tpu.memory_space<hbm>> -> memref<100x128xf32, #tpu.memory_space<hbm>>
      tpu.wait_indirect_dma semaphore(%arg11 : memref<!tpu.dma_semaphore, #tpu.memory_space<semaphore_mem>>) src(%dma_wait3A_854 : memref<100x128xf32, #tpu.memory_space<hbm>>) dst(%arg7 : memref<100x128xf32, #tpu.memory_space<vmem>>)
      %sub3A_855 = arith.constant 2 : i32
      %sub3A_856 = arith.subi %add3A_785, %sub3A_855 : i32
      %add3A_857 = arith.addi %select_n3A, %sub3A_856 : i32
      %sub3A_858 = arith.constant 1 : i32
      %sub3A_859 = arith.subi %select_n3A_46, %sub3A_858 : i32
      %min3A_860 = arith.minsi %add3A_857, %sub3A_859 : i32
      %jit3A_861 = arith.constant 33 : i32
      %div3A_862 = arith.divsi %min3A_860, %jit3A_861 : i32
      %sign3A_863 = arith.constant 0 : i32
      %sign3A_864 = arith.cmpi sgt, %min3A_860, %sign3A_863 : i32
      %sign3A_865 = arith.extui %sign3A_864 : i1 to i32
      %sign3A_866 = arith.constant 0 : i32
      %sign3A_867 = arith.cmpi slt, %min3A_860, %sign3A_866 : i32
      %sign3A_868 = arith.extui %sign3A_867 : i1 to i32
      %sign3A_869 = arith.subi %sign3A_865, %sign3A_868 : i32
      %sign3A_870 = arith.constant 0 : i32
      %sign3A_871 = arith.cmpi sgt, %jit3A_861, %sign3A_870 : i32
      %sign3A_872 = arith.extui %sign3A_871 : i1 to i32
      %sign3A_873 = arith.constant 0 : i32
      %sign3A_874 = arith.cmpi slt, %jit3A_861, %sign3A_873 : i32
      %sign3A_875 = arith.extui %sign3A_874 : i1 to i32
      %sign3A_876 = arith.subi %sign3A_872, %sign3A_875 : i32
      %ne3A_877 = arith.cmpi ne, %sign3A_869, %sign3A_876 : i32
      %rem3A_878 = arith.remsi %min3A_860, %jit3A_861 : i32
      %ne3A_879 = arith.constant 0 : i32
      %ne3A_880 = arith.cmpi ne, %rem3A_878, %ne3A_879 : i32
      %and3A_881 = arith.andi %ne3A_877, %ne3A_880 : i1
      %sub3A_882 = arith.constant 1 : i32
      %sub3A_883 = arith.subi %div3A_862, %sub3A_882 : i32
      %select_n3A_884 = arith.select %and3A_881, %sub3A_883, %div3A_862 : i32
      %mul3A_885 = arith.constant 33 : i32
      %mul3A_886 = arith.muli %select_n3A_884, %mul3A_885 : i32
      %sub3A_887 = arith.subi %min3A_860, %mul3A_886 : i32
      %dma_start3A_888 = arith.constant 0 : i32
      %dma_start3A_889 = arith.constant 0 : i32
      %dma_start3A_890 = tpu.memref_slice %arg4[%select_n3A_884, %sub3A_887, %dma_start3A_888, %dma_start3A_889] : memref<100x33x100x128xf32, #tpu.memory_space<hbm>> -> memref<1x1x100x128xf32, #tpu.memory_space<hbm>>
      %dma_start3A_891 = tpu.memref_squeeze %dma_start3A_890 : memref<1x1x100x128xf32, #tpu.memory_space<hbm>> -> memref<100x128xf32, #tpu.memory_space<hbm>>
      %dma_start3A_892 = arith.constant 0 : i32
      %dma_start3A_893 = arith.constant 0 : i32
      %dma_start3A_894 = tpu.memref_slice %arg4[%select_n3A_884, %sub3A_887, %dma_start3A_892, %dma_start3A_893] : memref<100x33x100x128xf32, #tpu.memory_space<hbm>> -> memref<1x1x100x128xf32, #tpu.memory_space<hbm>>
      %dma_start3A_895 = tpu.memref_squeeze %dma_start3A_894 : memref<1x1x100x128xf32, #tpu.memory_space<hbm>> -> memref<100x128xf32, #tpu.memory_space<hbm>>
      tpu.enqueue_dma source(%arg7 : memref<100x128xf32, #tpu.memory_space<vmem>>) target(%dma_start3A_895 : memref<100x128xf32, #tpu.memory_space<hbm>>) target_semaphore(%arg15 : memref<!tpu.dma_semaphore, #tpu.memory_space<semaphore_mem>>)
      %mul3A_896 = arith.constant 4 : i32
      %mul3A_897 = arith.muli %mul3A_896, %scan3A_553 : i32
      %add3A_898 = arith.constant 3 : i32
      %add3A_899 = arith.addi %mul3A_897, %add3A_898 : i32
      %dma_wait3A_900 = arith.constant 0 : i32
      %dma_wait3A_901 = arith.constant 0 : i32
      %dma_wait3A_902 = arith.constant 0 : i32
      %dma_wait3A_903 = arith.constant 0 : i32
      %dma_wait3A_904 = tpu.memref_slice %arg4[%dma_wait3A_900, %dma_wait3A_901, %dma_wait3A_902, %dma_wait3A_903] : memref<100x33x100x128xf32, #tpu.memory_space<hbm>> -> memref<1x1x100x128xf32, #tpu.memory_space<hbm>>
      %dma_wait3A_905 = tpu.memref_squeeze %dma_wait3A_904 : memref<1x1x100x128xf32, #tpu.memory_space<hbm>> -> memref<100x128xf32, #tpu.memory_space<hbm>>
      %dma_wait3A_906 = arith.constant 0 : i32
      %dma_wait3A_907 = arith.constant 0 : i32
      %dma_wait3A_908 = tpu.memref_slice %arg4[%dma_wait3A_900, %dma_wait3A_901, %dma_wait3A_906, %dma_wait3A_907] : memref<100x33x100x128xf32, #tpu.memory_space<hbm>> -> memref<1x1x100x128xf32, #tpu.memory_space<hbm>>
      %dma_wait3A_909 = tpu.memref_squeeze %dma_wait3A_908 : memref<1x1x100x128xf32, #tpu.memory_space<hbm>> -> memref<100x128xf32, #tpu.memory_space<hbm>>
      tpu.wait_dma2 semaphore(%arg18 : memref<!tpu.dma_semaphore, #tpu.memory_space<semaphore_mem>>) src(%arg10 : memref<100x128xf32, #tpu.memory_space<vmem>>) dst(%dma_wait3A_909 : memref<100x128xf32, #tpu.memory_space<hbm>>)
      %add3A_910 = arith.addi %select_n3A, %add3A_899 : i32
      %sub3A_911 = arith.constant 1 : i32
      %sub3A_912 = arith.subi %select_n3A_46, %sub3A_911 : i32
      %min3A_913 = arith.minsi %add3A_910, %sub3A_912 : i32
      %jit3A_914 = arith.constant 33 : i32
      %div3A_915 = arith.divsi %min3A_913, %jit3A_914 : i32
      %sign3A_916 = arith.constant 0 : i32
      %sign3A_917 = arith.cmpi sgt, %min3A_913, %sign3A_916 : i32
      %sign3A_918 = arith.extui %sign3A_917 : i1 to i32
      %sign3A_919 = arith.constant 0 : i32
      %sign3A_920 = arith.cmpi slt, %min3A_913, %sign3A_919 : i32
      %sign3A_921 = arith.extui %sign3A_920 : i1 to i32
      %sign3A_922 = arith.subi %sign3A_918, %sign3A_921 : i32
      %sign3A_923 = arith.constant 0 : i32
      %sign3A_924 = arith.cmpi sgt, %jit3A_914, %sign3A_923 : i32
      %sign3A_925 = arith.extui %sign3A_924 : i1 to i32
      %sign3A_926 = arith.constant 0 : i32
      %sign3A_927 = arith.cmpi slt, %jit3A_914, %sign3A_926 : i32
      %sign3A_928 = arith.extui %sign3A_927 : i1 to i32
      %sign3A_929 = arith.subi %sign3A_925, %sign3A_928 : i32
      %ne3A_930 = arith.cmpi ne, %sign3A_922, %sign3A_929 : i32
      %rem3A_931 = arith.remsi %min3A_913, %jit3A_914 : i32
      %ne3A_932 = arith.constant 0 : i32
      %ne3A_933 = arith.cmpi ne, %rem3A_931, %ne3A_932 : i32
      %and3A_934 = arith.andi %ne3A_930, %ne3A_933 : i1
      %sub3A_935 = arith.constant 1 : i32
      %sub3A_936 = arith.subi %div3A_915, %sub3A_935 : i32
      %select_n3A_937 = arith.select %and3A_934, %sub3A_936, %div3A_915 : i32
      %mul3A_938 = arith.constant 33 : i32
      %mul3A_939 = arith.muli %select_n3A_937, %mul3A_938 : i32
      %sub3A_940 = arith.subi %min3A_913, %mul3A_939 : i32
      %mul3A_941 = arith.constant 32 : i32
      %mul3A_942 = arith.muli %select_n3A_937, %mul3A_941 : i32
      %add3A_943 = arith.addi %mul3A_942, %sub3A_940 : i32
      %sub3A_944 = arith.constant 1 : i32
      %sub3A_945 = arith.subi %add3A_943, %sub3A_944 : i32
      %sub3A_946 = arith.subi %sub3A_945, %multiple_of3A : i32
      %max3A_947 = arith.constant 0 : i32
      %max3A_948 = arith.maxsi %sub3A_946, %max3A_947 : i32
      %eq3A_949 = arith.constant 0 : i32
      %eq3A_950 = arith.cmpi eq, %sub3A_940, %eq3A_949 : i32
      %convert_element_type3A_951 = arith.extui %eq3A_950 : i1 to i32
      %cond3A_952 = arith.constant 0 : i32
      %cond3A_953 = arith.cmpi ne, %convert_element_type3A_951, %cond3A_952 : i32
      scf.if %cond3A_953 {
        %dma_start3A_1010 = arith.constant 0 : i32
        %dma_start3A_1011 = tpu.memref_slice %arg6[%dma_start3A_1010] : memref<112xi32, #tpu.memory_space<vmem>> -> memref<100xi32, #tpu.memory_space<vmem>>
        %dma_start3A_1012 = arith.constant 0 : i32
        %dma_start3A_1013 = arith.constant 0 : i32
        %dma_start3A_1014 = tpu.memref_slice %arg2[%select_n3A_937, %dma_start3A_1012, %dma_start3A_1013] : memref<100x100x128xf32, #tpu.memory_space<hbm>> -> memref<1x100x128xf32, #tpu.memory_space<hbm>>
        %dma_start3A_1015 = tpu.memref_squeeze %dma_start3A_1014 : memref<1x100x128xf32, #tpu.memory_space<hbm>> -> memref<100x128xf32, #tpu.memory_space<hbm>>
        %dma_start3A_1016 = arith.constant 0 : i32
        %dma_start3A_1017 = arith.constant 0 : i32
        %dma_start3A_1018 = tpu.memref_slice %dma_start3A_1015[%dma_start3A_1016, %dma_start3A_1017] : memref<100x128xf32, #tpu.memory_space<hbm>> -> memref<100x128xf32, #tpu.memory_space<hbm>>
        tpu.enqueue_indirect_dma source(%dma_start3A_1018 : memref<100x128xf32, #tpu.memory_space<hbm>>) target(%arg10 : memref<100x128xf32, #tpu.memory_space<vmem>>) offsets(%dma_start3A_1011 : memref<100xi32, #tpu.memory_space<vmem>>) semaphore(%arg14 : memref<!tpu.dma_semaphore, #tpu.memory_space<semaphore_mem>>)
      } else {
      }
      %ne3A_954 = arith.constant 0 : i32
      %ne3A_955 = arith.cmpi ne, %sub3A_940, %ne3A_954 : i32
      %convert_element_type3A_956 = arith.extui %ne3A_955 : i1 to i32
      %cond3A_957 = arith.constant 0 : i32
      %cond3A_958 = arith.cmpi ne, %convert_element_type3A_956, %cond3A_957 : i32
      scf.if %cond3A_958 {
        %dma_start3A_1010 = arith.constant 0 : i32
        %dma_start3A_1011 = tpu.memref_slice %arg5[%max3A_948, %dma_start3A_1010] : memref<160x100xi32, #tpu.memory_space<vmem>> -> memref<1x100xi32, #tpu.memory_space<vmem>>
        %dma_start3A_1012 = tpu.memref_squeeze %dma_start3A_1011 : memref<1x100xi32, #tpu.memory_space<vmem>> -> memref<100xi32, #tpu.memory_space<vmem>>
        %dma_start3A_1013 = arith.constant 0 : i32
        %dma_start3A_1014 = arith.constant 0 : i32
        %dma_start3A_1015 = tpu.memref_slice %arg2[%select_n3A_937, %dma_start3A_1013, %dma_start3A_1014] : memref<100x100x128xf32, #tpu.memory_space<hbm>> -> memref<1x100x128xf32, #tpu.memory_space<hbm>>
        %dma_start3A_1016 = tpu.memref_squeeze %dma_start3A_1015 : memref<1x100x128xf32, #tpu.memory_space<hbm>> -> memref<100x128xf32, #tpu.memory_space<hbm>>
        %dma_start3A_1017 = arith.constant 0 : i32
        %dma_start3A_1018 = arith.constant 0 : i32
        %dma_start3A_1019 = tpu.memref_slice %dma_start3A_1016[%dma_start3A_1017, %dma_start3A_1018] : memref<100x128xf32, #tpu.memory_space<hbm>> -> memref<100x128xf32, #tpu.memory_space<hbm>>
        tpu.enqueue_indirect_dma source(%dma_start3A_1019 : memref<100x128xf32, #tpu.memory_space<hbm>>) target(%arg10 : memref<100x128xf32, #tpu.memory_space<vmem>>) offsets(%dma_start3A_1012 : memref<100xi32, #tpu.memory_space<vmem>>) semaphore(%arg14 : memref<!tpu.dma_semaphore, #tpu.memory_space<semaphore_mem>>)
      } else {
      }
      %dma_wait3A_959 = arith.constant 0 : i32
      %dma_wait3A_960 = arith.constant 0 : i32
      %dma_wait3A_961 = tpu.memref_slice %arg6[%dma_wait3A_960] : memref<112xi32, #tpu.memory_space<vmem>> -> memref<100xi32, #tpu.memory_space<vmem>>
      %dma_wait3A_962 = arith.constant 0 : i32
      %dma_wait3A_963 = arith.constant 0 : i32
      %dma_wait3A_964 = tpu.memref_slice %arg2[%dma_wait3A_959, %dma_wait3A_962, %dma_wait3A_963] : memref<100x100x128xf32, #tpu.memory_space<hbm>> -> memref<1x100x128xf32, #tpu.memory_space<hbm>>
      %dma_wait3A_965 = tpu.memref_squeeze %dma_wait3A_964 : memref<1x100x128xf32, #tpu.memory_space<hbm>> -> memref<100x128xf32, #tpu.memory_space<hbm>>
      %dma_wait3A_966 = arith.constant 0 : i32
      %dma_wait3A_967 = arith.constant 0 : i32
      %dma_wait3A_968 = tpu.memref_slice %dma_wait3A_965[%dma_wait3A_966, %dma_wait3A_967] : memref<100x128xf32, #tpu.memory_space<hbm>> -> memref<100x128xf32, #tpu.memory_space<hbm>>
      tpu.wait_indirect_dma semaphore(%arg12 : memref<!tpu.dma_semaphore, #tpu.memory_space<semaphore_mem>>) src(%dma_wait3A_968 : memref<100x128xf32, #tpu.memory_space<hbm>>) dst(%arg8 : memref<100x128xf32, #tpu.memory_space<vmem>>)
      %sub3A_969 = arith.constant 2 : i32
      %sub3A_970 = arith.subi %add3A_899, %sub3A_969 : i32
      %add3A_971 = arith.addi %select_n3A, %sub3A_970 : i32
      %sub3A_972 = arith.constant 1 : i32
      %sub3A_973 = arith.subi %select_n3A_46, %sub3A_972 : i32
      %min3A_974 = arith.minsi %add3A_971, %sub3A_973 : i32
      %jit3A_975 = arith.constant 33 : i32
      %div3A_976 = arith.divsi %min3A_974, %jit3A_975 : i32
      %sign3A_977 = arith.constant 0 : i32
      %sign3A_978 = arith.cmpi sgt, %min3A_974, %sign3A_977 : i32
      %sign3A_979 = arith.extui %sign3A_978 : i1 to i32
      %sign3A_980 = arith.constant 0 : i32
      %sign3A_981 = arith.cmpi slt, %min3A_974, %sign3A_980 : i32
      %sign3A_982 = arith.extui %sign3A_981 : i1 to i32
      %sign3A_983 = arith.subi %sign3A_979, %sign3A_982 : i32
      %sign3A_984 = arith.constant 0 : i32
      %sign3A_985 = arith.cmpi sgt, %jit3A_975, %sign3A_984 : i32
      %sign3A_986 = arith.extui %sign3A_985 : i1 to i32
      %sign3A_987 = arith.constant 0 : i32
      %sign3A_988 = arith.cmpi slt, %jit3A_975, %sign3A_987 : i32
      %sign3A_989 = arith.extui %sign3A_988 : i1 to i32
      %sign3A_990 = arith.subi %sign3A_986, %sign3A_989 : i32
      %ne3A_991 = arith.cmpi ne, %sign3A_983, %sign3A_990 : i32
      %rem3A_992 = arith.remsi %min3A_974, %jit3A_975 : i32
      %ne3A_993 = arith.constant 0 : i32
      %ne3A_994 = arith.cmpi ne, %rem3A_992, %ne3A_993 : i32
      %and3A_995 = arith.andi %ne3A_991, %ne3A_994 : i1
      %sub3A_996 = arith.constant 1 : i32
      %sub3A_997 = arith.subi %div3A_976, %sub3A_996 : i32
      %select_n3A_998 = arith.select %and3A_995, %sub3A_997, %div3A_976 : i32
      %mul3A_999 = arith.constant 33 : i32
      %mul3A_1000 = arith.muli %select_n3A_998, %mul3A_999 : i32
      %sub3A_1001 = arith.subi %min3A_974, %mul3A_1000 : i32
      %dma_start3A_1002 = arith.constant 0 : i32
      %dma_start3A_1003 = arith.constant 0 : i32
      %dma_start3A_1004 = tpu.memref_slice %arg4[%select_n3A_998, %sub3A_1001, %dma_start3A_1002, %dma_start3A_1003] : memref<100x33x100x128xf32, #tpu.memory_space<hbm>> -> memref<1x1x100x128xf32, #tpu.memory_space<hbm>>
      %dma_start3A_1005 = tpu.memref_squeeze %dma_start3A_1004 : memref<1x1x100x128xf32, #tpu.memory_space<hbm>> -> memref<100x128xf32, #tpu.memory_space<hbm>>
      %dma_start3A_1006 = arith.constant 0 : i32
      %dma_start3A_1007 = arith.constant 0 : i32
      %dma_start3A_1008 = tpu.memref_slice %arg4[%select_n3A_998, %sub3A_1001, %dma_start3A_1006, %dma_start3A_1007] : memref<100x33x100x128xf32, #tpu.memory_space<hbm>> -> memref<1x1x100x128xf32, #tpu.memory_space<hbm>>
      %dma_start3A_1009 = tpu.memref_squeeze %dma_start3A_1008 : memref<1x1x100x128xf32, #tpu.memory_space<hbm>> -> memref<100x128xf32, #tpu.memory_space<hbm>>
      tpu.enqueue_dma source(%arg8 : memref<100x128xf32, #tpu.memory_space<vmem>>) target(%dma_start3A_1009 : memref<100x128xf32, #tpu.memory_space<hbm>>) target_semaphore(%arg16 : memref<!tpu.dma_semaphore, #tpu.memory_space<semaphore_mem>>)
    }
    %scan3A_412 = arith.constant 25 : i32
    %dma_wait3A_413 = arith.constant 0 : i32
    %dma_wait3A_414 = arith.constant 0 : i32
    %dma_wait3A_415 = tpu.memref_slice %arg6[%dma_wait3A_414] : memref<112xi32, #tpu.memory_space<vmem>> -> memref<100xi32, #tpu.memory_space<vmem>>
    %dma_wait3A_416 = arith.constant 0 : i32
    %dma_wait3A_417 = arith.constant 0 : i32
    %dma_wait3A_418 = tpu.memref_slice %arg2[%dma_wait3A_413, %dma_wait3A_416, %dma_wait3A_417] : memref<100x100x128xf32, #tpu.memory_space<hbm>> -> memref<1x100x128xf32, #tpu.memory_space<hbm>>
    %dma_wait3A_419 = tpu.memref_squeeze %dma_wait3A_418 : memref<1x100x128xf32, #tpu.memory_space<hbm>> -> memref<100x128xf32, #tpu.memory_space<hbm>>
    %dma_wait3A_420 = arith.constant 0 : i32
    %dma_wait3A_421 = arith.constant 0 : i32
    %dma_wait3A_422 = tpu.memref_slice %dma_wait3A_419[%dma_wait3A_420, %dma_wait3A_421] : memref<100x128xf32, #tpu.memory_space<hbm>> -> memref<100x128xf32, #tpu.memory_space<hbm>>
    tpu.wait_indirect_dma semaphore(%arg13 : memref<!tpu.dma_semaphore, #tpu.memory_space<semaphore_mem>>) src(%dma_wait3A_422 : memref<100x128xf32, #tpu.memory_space<hbm>>) dst(%arg9 : memref<100x128xf32, #tpu.memory_space<vmem>>)
    %add3A_423 = arith.constant 102 : i32
    %add3A_424 = arith.addi %select_n3A, %add3A_423 : i32
    %sub3A_425 = arith.constant 1 : i32
    %sub3A_426 = arith.subi %select_n3A_46, %sub3A_425 : i32
    %min3A_427 = arith.minsi %add3A_424, %sub3A_426 : i32
    %jit3A_428 = arith.constant 33 : i32
    %div3A_429 = arith.divsi %min3A_427, %jit3A_428 : i32
    %sign3A_430 = arith.constant 0 : i32
    %sign3A_431 = arith.cmpi sgt, %min3A_427, %sign3A_430 : i32
    %sign3A_432 = arith.extui %sign3A_431 : i1 to i32
    %sign3A_433 = arith.constant 0 : i32
    %sign3A_434 = arith.cmpi slt, %min3A_427, %sign3A_433 : i32
    %sign3A_435 = arith.extui %sign3A_434 : i1 to i32
    %sign3A_436 = arith.subi %sign3A_432, %sign3A_435 : i32
    %sign3A_437 = arith.constant 0 : i32
    %sign3A_438 = arith.cmpi sgt, %jit3A_428, %sign3A_437 : i32
    %sign3A_439 = arith.extui %sign3A_438 : i1 to i32
    %sign3A_440 = arith.constant 0 : i32
    %sign3A_441 = arith.cmpi slt, %jit3A_428, %sign3A_440 : i32
    %sign3A_442 = arith.extui %sign3A_441 : i1 to i32
    %sign3A_443 = arith.subi %sign3A_439, %sign3A_442 : i32
    %ne3A_444 = arith.cmpi ne, %sign3A_436, %sign3A_443 : i32
    %rem3A_445 = arith.remsi %min3A_427, %jit3A_428 : i32
    %ne3A_446 = arith.constant 0 : i32
    %ne3A_447 = arith.cmpi ne, %rem3A_445, %ne3A_446 : i32
    %and3A_448 = arith.andi %ne3A_444, %ne3A_447 : i1
    %sub3A_449 = arith.constant 1 : i32
    %sub3A_450 = arith.subi %div3A_429, %sub3A_449 : i32
    %select_n3A_451 = arith.select %and3A_448, %sub3A_450, %div3A_429 : i32
    %mul3A_452 = arith.constant 33 : i32
    %mul3A_453 = arith.muli %select_n3A_451, %mul3A_452 : i32
    %sub3A_454 = arith.subi %min3A_427, %mul3A_453 : i32
    %dma_start3A_455 = arith.constant 0 : i32
    %dma_start3A_456 = arith.constant 0 : i32
    %dma_start3A_457 = tpu.memref_slice %arg4[%select_n3A_451, %sub3A_454, %dma_start3A_455, %dma_start3A_456] : memref<100x33x100x128xf32, #tpu.memory_space<hbm>> -> memref<1x1x100x128xf32, #tpu.memory_space<hbm>>
    %dma_start3A_458 = tpu.memref_squeeze %dma_start3A_457 : memref<1x1x100x128xf32, #tpu.memory_space<hbm>> -> memref<100x128xf32, #tpu.memory_space<hbm>>
    %dma_start3A_459 = arith.constant 0 : i32
    %dma_start3A_460 = arith.constant 0 : i32
    %dma_start3A_461 = tpu.memref_slice %arg4[%select_n3A_451, %sub3A_454, %dma_start3A_459, %dma_start3A_460] : memref<100x33x100x128xf32, #tpu.memory_space<hbm>> -> memref<1x1x100x128xf32, #tpu.memory_space<hbm>>
    %dma_start3A_462 = tpu.memref_squeeze %dma_start3A_461 : memref<1x1x100x128xf32, #tpu.memory_space<hbm>> -> memref<100x128xf32, #tpu.memory_space<hbm>>
    tpu.enqueue_dma source(%arg9 : memref<100x128xf32, #tpu.memory_space<vmem>>) target(%dma_start3A_462 : memref<100x128xf32, #tpu.memory_space<hbm>>) target_semaphore(%arg17 : memref<!tpu.dma_semaphore, #tpu.memory_space<semaphore_mem>>)
    %dma_wait3A_463 = arith.constant 0 : i32
    %dma_wait3A_464 = arith.constant 0 : i32
    %dma_wait3A_465 = tpu.memref_slice %arg6[%dma_wait3A_464] : memref<112xi32, #tpu.memory_space<vmem>> -> memref<100xi32, #tpu.memory_space<vmem>>
    %dma_wait3A_466 = arith.constant 0 : i32
    %dma_wait3A_467 = arith.constant 0 : i32
    %dma_wait3A_468 = tpu.memref_slice %arg2[%dma_wait3A_463, %dma_wait3A_466, %dma_wait3A_467] : memref<100x100x128xf32, #tpu.memory_space<hbm>> -> memref<1x100x128xf32, #tpu.memory_space<hbm>>
    %dma_wait3A_469 = tpu.memref_squeeze %dma_wait3A_468 : memref<1x100x128xf32, #tpu.memory_space<hbm>> -> memref<100x128xf32, #tpu.memory_space<hbm>>
    %dma_wait3A_470 = arith.constant 0 : i32
    %dma_wait3A_471 = arith.constant 0 : i32
    %dma_wait3A_472 = tpu.memref_slice %dma_wait3A_469[%dma_wait3A_470, %dma_wait3A_471] : memref<100x128xf32, #tpu.memory_space<hbm>> -> memref<100x128xf32, #tpu.memory_space<hbm>>
    tpu.wait_indirect_dma semaphore(%arg14 : memref<!tpu.dma_semaphore, #tpu.memory_space<semaphore_mem>>) src(%dma_wait3A_472 : memref<100x128xf32, #tpu.memory_space<hbm>>) dst(%arg10 : memref<100x128xf32, #tpu.memory_space<vmem>>)
    %add3A_473 = arith.constant 103 : i32
    %add3A_474 = arith.addi %select_n3A, %add3A_473 : i32
    %sub3A_475 = arith.constant 1 : i32
    %sub3A_476 = arith.subi %select_n3A_46, %sub3A_475 : i32
    %min3A_477 = arith.minsi %add3A_474, %sub3A_476 : i32
    %jit3A_478 = arith.constant 33 : i32
    %div3A_479 = arith.divsi %min3A_477, %jit3A_478 : i32
    %sign3A_480 = arith.constant 0 : i32
    %sign3A_481 = arith.cmpi sgt, %min3A_477, %sign3A_480 : i32
    %sign3A_482 = arith.extui %sign3A_481 : i1 to i32
    %sign3A_483 = arith.constant 0 : i32
    %sign3A_484 = arith.cmpi slt, %min3A_477, %sign3A_483 : i32
    %sign3A_485 = arith.extui %sign3A_484 : i1 to i32
    %sign3A_486 = arith.subi %sign3A_482, %sign3A_485 : i32
    %sign3A_487 = arith.constant 0 : i32
    %sign3A_488 = arith.cmpi sgt, %jit3A_478, %sign3A_487 : i32
    %sign3A_489 = arith.extui %sign3A_488 : i1 to i32
    %sign3A_490 = arith.constant 0 : i32
    %sign3A_491 = arith.cmpi slt, %jit3A_478, %sign3A_490 : i32
    %sign3A_492 = arith.extui %sign3A_491 : i1 to i32
    %sign3A_493 = arith.subi %sign3A_489, %sign3A_492 : i32
    %ne3A_494 = arith.cmpi ne, %sign3A_486, %sign3A_493 : i32
    %rem3A_495 = arith.remsi %min3A_477, %jit3A_478 : i32
    %ne3A_496 = arith.constant 0 : i32
    %ne3A_497 = arith.cmpi ne, %rem3A_495, %ne3A_496 : i32
    %and3A_498 = arith.andi %ne3A_494, %ne3A_497 : i1
    %sub3A_499 = arith.constant 1 : i32
    %sub3A_500 = arith.subi %div3A_479, %sub3A_499 : i32
    %select_n3A_501 = arith.select %and3A_498, %sub3A_500, %div3A_479 : i32
    %mul3A_502 = arith.constant 33 : i32
    %mul3A_503 = arith.muli %select_n3A_501, %mul3A_502 : i32
    %sub3A_504 = arith.subi %min3A_477, %mul3A_503 : i32
    %dma_start3A_505 = arith.constant 0 : i32
    %dma_start3A_506 = arith.constant 0 : i32
    %dma_start3A_507 = tpu.memref_slice %arg4[%select_n3A_501, %sub3A_504, %dma_start3A_505, %dma_start3A_506] : memref<100x33x100x128xf32, #tpu.memory_space<hbm>> -> memref<1x1x100x128xf32, #tpu.memory_space<hbm>>
    %dma_start3A_508 = tpu.memref_squeeze %dma_start3A_507 : memref<1x1x100x128xf32, #tpu.memory_space<hbm>> -> memref<100x128xf32, #tpu.memory_space<hbm>>
    %dma_start3A_509 = arith.constant 0 : i32
    %dma_start3A_510 = arith.constant 0 : i32
    %dma_start3A_511 = tpu.memref_slice %arg4[%select_n3A_501, %sub3A_504, %dma_start3A_509, %dma_start3A_510] : memref<100x33x100x128xf32, #tpu.memory_space<hbm>> -> memref<1x1x100x128xf32, #tpu.memory_space<hbm>>
    %dma_start3A_512 = tpu.memref_squeeze %dma_start3A_511 : memref<1x1x100x128xf32, #tpu.memory_space<hbm>> -> memref<100x128xf32, #tpu.memory_space<hbm>>
    tpu.enqueue_dma source(%arg10 : memref<100x128xf32, #tpu.memory_space<vmem>>) target(%dma_start3A_512 : memref<100x128xf32, #tpu.memory_space<hbm>>) target_semaphore(%arg18 : memref<!tpu.dma_semaphore, #tpu.memory_space<semaphore_mem>>)
    %dma_wait3A_513 = arith.constant 0 : i32
    %dma_wait3A_514 = arith.constant 0 : i32
    %dma_wait3A_515 = arith.constant 0 : i32
    %dma_wait3A_516 = arith.constant 0 : i32
    %dma_wait3A_517 = tpu.memref_slice %arg4[%dma_wait3A_513, %dma_wait3A_514, %dma_wait3A_515, %dma_wait3A_516] : memref<100x33x100x128xf32, #tpu.memory_space<hbm>> -> memref<1x1x100x128xf32, #tpu.memory_space<hbm>>
    %dma_wait3A_518 = tpu.memref_squeeze %dma_wait3A_517 : memref<1x1x100x128xf32, #tpu.memory_space<hbm>> -> memref<100x128xf32, #tpu.memory_space<hbm>>
    %dma_wait3A_519 = arith.constant 0 : i32
    %dma_wait3A_520 = arith.constant 0 : i32
    %dma_wait3A_521 = tpu.memref_slice %arg4[%dma_wait3A_513, %dma_wait3A_514, %dma_wait3A_519, %dma_wait3A_520] : memref<100x33x100x128xf32, #tpu.memory_space<hbm>> -> memref<1x1x100x128xf32, #tpu.memory_space<hbm>>
    %dma_wait3A_522 = tpu.memref_squeeze %dma_wait3A_521 : memref<1x1x100x128xf32, #tpu.memory_space<hbm>> -> memref<100x128xf32, #tpu.memory_space<hbm>>
    tpu.wait_dma2 semaphore(%arg15 : memref<!tpu.dma_semaphore, #tpu.memory_space<semaphore_mem>>) src(%arg7 : memref<100x128xf32, #tpu.memory_space<vmem>>) dst(%dma_wait3A_522 : memref<100x128xf32, #tpu.memory_space<hbm>>)
    %dma_wait3A_523 = arith.constant 0 : i32
    %dma_wait3A_524 = arith.constant 0 : i32
    %dma_wait3A_525 = arith.constant 0 : i32
    %dma_wait3A_526 = arith.constant 0 : i32
    %dma_wait3A_527 = tpu.memref_slice %arg4[%dma_wait3A_523, %dma_wait3A_524, %dma_wait3A_525, %dma_wait3A_526] : memref<100x33x100x128xf32, #tpu.memory_space<hbm>> -> memref<1x1x100x128xf32, #tpu.memory_space<hbm>>
    %dma_wait3A_528 = tpu.memref_squeeze %dma_wait3A_527 : memref<1x1x100x128xf32, #tpu.memory_space<hbm>> -> memref<100x128xf32, #tpu.memory_space<hbm>>
    %dma_wait3A_529 = arith.constant 0 : i32
    %dma_wait3A_530 = arith.constant 0 : i32
    %dma_wait3A_531 = tpu.memref_slice %arg4[%dma_wait3A_523, %dma_wait3A_524, %dma_wait3A_529, %dma_wait3A_530] : memref<100x33x100x128xf32, #tpu.memory_space<hbm>> -> memref<1x1x100x128xf32, #tpu.memory_space<hbm>>
    %dma_wait3A_532 = tpu.memref_squeeze %dma_wait3A_531 : memref<1x1x100x128xf32, #tpu.memory_space<hbm>> -> memref<100x128xf32, #tpu.memory_space<hbm>>
    tpu.wait_dma2 semaphore(%arg16 : memref<!tpu.dma_semaphore, #tpu.memory_space<semaphore_mem>>) src(%arg8 : memref<100x128xf32, #tpu.memory_space<vmem>>) dst(%dma_wait3A_532 : memref<100x128xf32, #tpu.memory_space<hbm>>)
    %dma_wait3A_533 = arith.constant 0 : i32
    %dma_wait3A_534 = arith.constant 0 : i32
    %dma_wait3A_535 = arith.constant 0 : i32
    %dma_wait3A_536 = arith.constant 0 : i32
    %dma_wait3A_537 = tpu.memref_slice %arg4[%dma_wait3A_533, %dma_wait3A_534, %dma_wait3A_535, %dma_wait3A_536] : memref<100x33x100x128xf32, #tpu.memory_space<hbm>> -> memref<1x1x100x128xf32, #tpu.memory_space<hbm>>
    %dma_wait3A_538 = tpu.memref_squeeze %dma_wait3A_537 : memref<1x1x100x128xf32, #tpu.memory_space<hbm>> -> memref<100x128xf32, #tpu.memory_space<hbm>>
    %dma_wait3A_539 = arith.constant 0 : i32
    %dma_wait3A_540 = arith.constant 0 : i32
    %dma_wait3A_541 = tpu.memref_slice %arg4[%dma_wait3A_533, %dma_wait3A_534, %dma_wait3A_539, %dma_wait3A_540] : memref<100x33x100x128xf32, #tpu.memory_space<hbm>> -> memref<1x1x100x128xf32, #tpu.memory_space<hbm>>
    %dma_wait3A_542 = tpu.memref_squeeze %dma_wait3A_541 : memref<1x1x100x128xf32, #tpu.memory_space<hbm>> -> memref<100x128xf32, #tpu.memory_space<hbm>>
    tpu.wait_dma2 semaphore(%arg17 : memref<!tpu.dma_semaphore, #tpu.memory_space<semaphore_mem>>) src(%arg9 : memref<100x128xf32, #tpu.memory_space<vmem>>) dst(%dma_wait3A_542 : memref<100x128xf32, #tpu.memory_space<hbm>>)
    %dma_wait3A_543 = arith.constant 0 : i32
    %dma_wait3A_544 = arith.constant 0 : i32
    %dma_wait3A_545 = arith.constant 0 : i32
    %dma_wait3A_546 = arith.constant 0 : i32
    %dma_wait3A_547 = tpu.memref_slice %arg4[%dma_wait3A_543, %dma_wait3A_544, %dma_wait3A_545, %dma_wait3A_546] : memref<100x33x100x128xf32, #tpu.memory_space<hbm>> -> memref<1x1x100x128xf32, #tpu.memory_space<hbm>>
    %dma_wait3A_548 = tpu.memref_squeeze %dma_wait3A_547 : memref<1x1x100x128xf32, #tpu.memory_space<hbm>> -> memref<100x128xf32, #tpu.memory_space<hbm>>
    %dma_wait3A_549 = arith.constant 0 : i32
    %dma_wait3A_550 = arith.constant 0 : i32
    %dma_wait3A_551 = tpu.memref_slice %arg4[%dma_wait3A_543, %dma_wait3A_544, %dma_wait3A_549, %dma_wait3A_550] : memref<100x33x100x128xf32, #tpu.memory_space<hbm>> -> memref<1x1x100x128xf32, #tpu.memory_space<hbm>>
    %dma_wait3A_552 = tpu.memref_squeeze %dma_wait3A_551 : memref<1x1x100x128xf32, #tpu.memory_space<hbm>> -> memref<100x128xf32, #tpu.memory_space<hbm>>
    tpu.wait_dma2 semaphore(%arg18 : memref<!tpu.dma_semaphore, #tpu.memory_space<semaphore_mem>>) src(%arg10 : memref<100x128xf32, #tpu.memory_space<vmem>>) dst(%dma_wait3A_552 : memref<100x128xf32, #tpu.memory_space<hbm>>)
    return
  }
}

</mosaic_0001>

<sc_bundles>
// kernel: kernel.3.cloned.1.call-start
scs
__scs_entry_jumppad:
0x0: {  	(pc) =	sbr.rel $0x88, $3  }
0x1: {  	(tag) =	ssettag $0x0;
	lr =	simm.s32 $0x1  }
0x2: {  	[smem:$0x3F9F] =	sst lr;
	_ =	strace $0xD0000000  }
0x3: {  	_ = 	snop  }
0x4: {  	_ = 	snop  }
0x5: {  	_ = 	snop  }
0x6: {  	_ = 	snop  }
0x7: {  	_ = 	snop  }
__scs_overlays_trampoline_lowered:
0x8: {  	[smem:$0x3FAE] =	sst s0  }
0x9: {  	[smem:$0x3FAF] =	sst s1  }
0xa: {  	[smem:$0x3FB0] =	sst s2  }
0xb: {  	[smem:$0x3FB1] =	sst s3  }
0xc: {  	[smem:$0x3FB2] =	sst s4  }
0xd: {  	[smem:$0x3FB3] =	sst s5  }
0xe: {  	[smem:$0x3FB4] =	sst s6  }
0xf: {  	[smem:$0x3FB5] =	sst s7  }
0x10: {  	[smem:$0x3FB6] =	sst s8  }
0x11: {  	[smem:$0x3FB7] =	sst s9;
	s0 =	simm.s32 @!p0 $0x0  }
0x12: {  	s1 =	sld [smem:$0x3F9D];
	s0 =	simm.s32 @p0 $0x1  }
0x13: {  	[smem:$0x3FB8] =	sst s0;
	s0 =	simm.s32 @!p1 $0x0  }
0x14: {  	s2 =	sld [smem:$0x3F9C];
	s0 =	simm.s32 @p1 $0x1  }
0x15: {  	[smem:$0x3FB9] =	sst s0;
	s0 =	simm.s32 @!p2 $0x0  }
0x16: {  	s3 =	sld [smem:$0x3FDB];
	s0 =	simm.s32 @p2 $0x1  }
0x17: {  	s4 =	simm.s32 $0x1BF5;
	[smem:$0x3FBB] =	sst s0  }
0x18: {  	s0 =	sld [smem:$0x3F9E];
	_ =	swait.ge [sflag:s4], $0x0  }
0x19: {  	s7 =	sld [smem:$0x3F9F]  }
0x1a: {  	s8 =	sadd.s32 $0xFFFFE003, lr  }
0x1b: {  	s9 =	sadd.s32 $0xFFFFFEF7, lr;
	s5 =	simm.s32 $0xFFFFFFFF;
	p2 =	slt.u32 s8, $0xFFFFF086  }
0x1c: {  	p1 =	slt.u32 s9, $0xF7A;
	s5 =	simm.s32 @!p2 $0x0  }
0x1d: {  	s5 =	simm.s32 @p1 $0x1;
	p0 =	seq.s32 s7, s2  }
0x1e: {  	s7 =	smul.u32 @!p0 $0xF7A, s2;
	p2 =	seq.s32 @!p0 s5, $0x0  }
0x1f: {  	s9 =	smul.u32 $0xF7A, s1;
	s8 =	simm.s32 @!p0 $0x1BF5;
	p2 =	por !p2, p0  }
0x20: {  	[sflag:s8] =	ssyncset.s32 @!p0 $0xFFFFF086;
	s6 =	sadd.s32 @!p0 s3, s7;
	s7 =	simm.s32 @!p0 $0x108  }
0x21: {  	s3 =	sadd.s32 s3, s9;
	s6 =	sadd.s32 @!p0 $0x88, s6;
	s7 =	simm.s32 @p2 $0x1082  }
0x22: {  	[simem:s7], [sflag:s8] =	dma.local @!p0 [hbm:s6], $0xF7A  }
0x23: {  	s9 =	sor.u32 $0xD0000000, s2;
	s6 =	simm.s32 $0x108;
	_ =	swait.ge @!p0 [sflag:s8], $0x0  }
0x24: {  	s3 =	sadd.s32 $0x88, s3;
	s6 =	simm.s32 @!p1 $0x1082;
	[sflag:s4] =	ssyncset.s32 $0xFFFFF086  }
0x25: {  	[simem:s6], [sflag:s4] =	dma.local [hbm:s3], $0xF7A  }
0x26: {  	[smem:$0x3F9F] =	sst s1;
	(tag) =	ssettag s2;
	_ =	strace s9  }
0x27: {  	s1 =	sld [smem:$0x3FAF]  }
0x28: {  	s2 =	sld [smem:$0x3FB0]  }
0x29: {  	s4 =	sld [smem:$0x3FB2]  }
0x2a: {  	p0 =	seq.s32 s5, $0x0;
	s5 =	sld [smem:$0x3FB3]  }
0x2b: {  	s6 =	sld [smem:$0x3FB4]  }
0x2c: {  	s7 =	sld [smem:$0x3FB5]  }
0x2d: {  	s3 =	simm.s32 $0x108;
	s8 =	sld [smem:$0x3FB6]  }
0x2e: {  	s3 =	simm.s32 @!p0 $0x1082;
	s9 =	sld [smem:$0x3FB7]  }
0x2f: {  	lr =	sadd.s32 s0, s3;
	s0 =	sld [smem:$0x3FAE]  }
0x30: {  	s3 =	sld [smem:$0x3FB1]  }
0x31: {  	[smem:$0x3FBA] =	sst s10  }
0x32: {  	s10 =	sld [smem:$0x3FB8];
	_ =	sdelay $0x3  }
0x33: {  	p0 =	seq.s32 s10, $0x1;
	s10 =	sld [smem:$0x3FBA];
	_ =	sdelay $0x3  }
0x34: {  	[smem:$0x3FBA] =	sst s10  }
0x35: {  	s10 =	sld [smem:$0x3FB9];
	_ =	sdelay $0x3  }
0x36: {  	p1 =	seq.s32 s10, $0x1;
	s10 =	sld [smem:$0x3FBA];
	_ =	sdelay $0x3  }
0x37: {  	[smem:$0x3FBA] =	sst s10  }
0x38: {  	s10 =	sld [smem:$0x3FBB]  }
0x39: {  	_ = 	snop;
	(pc) =	sbr.ind lr, $3  }
0x3a: {  	_ = 	snop  }
0x3b: {  	_ = 	snop  }
0x3c: {  	p2 =	seq.s32 s10, $0x1;
	s10 =	sld [smem:$0x3FBA]  }
0x3d: {  	_ =	shalt  }
0x3e: {  	_ =	shalt  }
0x3f: {  	_ =	shalt  }
0x40: {  	_ =	shalt  }
0x41: {  	_ =	shalt  }
0x42: {  	_ =	shalt  }
0x43: {  	_ =	shalt  }
0x44: {  	_ =	shalt  }
0x45: {  	_ =	shalt  }
0x46: {  	_ =	shalt  }
0x47: {  	_ =	shalt  }
0x48: {  	_ =	shalt  }
0x49: {  	_ =	shalt  }
0x4a: {  	_ =	shalt  }
0x4b: {  	_ =	shalt  }
0x4c: {  	_ =	shalt  }
0x4d: {  	_ =	shalt  }
0x4e: {  	_ =	shalt  }
0x4f: {  	_ =	shalt  }
0x50: {  	_ =	shalt  }
0x51: {  	_ =	shalt  }
0x52: {  	_ =	shalt  }
0x53: {  	_ =	shalt  }
0x54: {  	_ =	shalt  }
0x55: {  	_ =	shalt  }
0x56: {  	_ =	shalt  }
0x57: {  	_ =	shalt  }
0x58: {  	_ =	shalt  }
0x59: {  	_ =	shalt  }
0x5a: {  	_ =	shalt  }
0x5b: {  	_ =	shalt  }
0x5c: {  	_ =	shalt  }
0x5d: {  	_ =	shalt  }
0x5e: {  	_ =	shalt  }
0x5f: {  	_ =	shalt  }
0x60: {  	_ =	shalt  }
0x61: {  	_ =	shalt  }
0x62: {  	_ =	shalt  }
0x63: {  	_ =	shalt  }
0x64: {  	_ =	shalt  }
0x65: {  	_ =	shalt  }
0x66: {  	_ =	shalt  }
0x67: {  	_ =	shalt  }
0x68: {  	_ =	shalt  }
0x69: {  	_ =	shalt  }
0x6a: {  	_ =	shalt  }
0x6b: {  	_ =	shalt  }
0x6c: {  	_ =	shalt  }
0x6d: {  	_ =	shalt  }
0x6e: {  	_ =	shalt  }
0x6f: {  	_ =	shalt  }
0x70: {  	_ =	shalt  }
0x71: {  	_ =	shalt  }
0x72: {  	_ =	shalt  }
0x73: {  	_ =	shalt  }
0x74: {  	_ =	shalt  }
0x75: {  	_ =	shalt  }
0x76: {  	_ =	shalt  }
0x77: {  	_ =	shalt  }
0x78: {  	_ =	shalt  }
0x79: {  	_ =	shalt  }
0x7a: {  	_ =	shalt  }
0x7b: {  	_ =	shalt  }
0x7c: {  	_ =	shalt  }
0x7d: {  	_ =	shalt  }
0x7e: {  	_ =	shalt  }
0x7f: {  	_ =	shalt  }
0x80: {  	_ =	shalt  }
0x81: {  	_ =	shalt  }
0x82: {  	_ =	shalt  }
0x83: {  	_ =	shalt  }
0x84: {  	_ =	shalt  }
0x85: {  	_ =	shalt  }
0x86: {  	_ =	shalt  }
0x87: {  	_ =	shalt  }
.Lfunc_end0:
.L_simem_size_0:
called_computation_lowered:
.L_overlay_start_0:
0x88: {  	s2 =	sld [smem:$0x3FD9]  }
0x89: {  	s3 =	sld [smem:$0x3FFE];
	_ =	sdelay $0x1  }
0x8a: {  	s1 =	srdreg.scid  }
0x8b: {  	s0 =	sand.u32 $0x1, s1  }
0x8c: {  	s18 =	sshll.u32 s0, $0xA;
	s2 =	sadd.s32 s3, s2  }
0x8d: {  	s2 =	sadd.s32 s2, s18  }
0x8e: {  	[smem:$0x3FC6] =	sst s2  }
0x8f: {  	_ = 	snop  }
0x90: {  	s2 =	sld [smem:$0x3FC9]  }
0x91: {  	s19 =	sld [smem:$0x3FC8]  }
0x92: {  	s4 =	sld [smem:$0x3FD0];
	(tm) =	ssettm $0x1  }
0x93: {  	s5 =	sld [smem:$0x3FFB];
	_ =	sdelay $0x3  }
0x94: {  	_ =	strace s5  }
0x95: {  	s5 =	sld [smem:$0x3FFC];
	_ =	sdelay $0x3  }
0x96: {  	_ =	strace s5  }
0x97: {  	s5 =	sld [smem:$0x3FFD];
	_ =	sdelay $0x3  }
0x98: {  	_ =	strace s5  }
0x99: {  	_ =	strace $0x8FFFFFFF  }
0x9a: {  	s20 =	sld [smem:$0x3FDB];
	_ =	sdelay $0x1  }
0x9b: {  	s6 =	simm.s32 $_scs_section_size  }
0x9c: {  	s7 =	simm.s32 $_size__tile_overlayer_lowered;
	s8 =	simm.s32 $_tile_overlayer_lowered  }
0x9d: {  	s23 =	simm.s32 $0x1BFF;
	s22 =	sshll.u32 s8, $0x1;
	s5 =	sadd.s32 s6, s20  }
0x9e: {  	s9 =	simm.s32 $0x0;
	s21 =	sshll.u32 s7, $0x1;
	s7 =	sadd.s32 s22, s5  }
0x9f: {  	[timem:s9], [sflag:s23] =	dma.local [hbm:s7], s21  }
0xa0: {  	_ =	swait.ge [sflag:s23], s21  }
0xa1: {  	s6 =	ssub.s32 $0x0, s21;
	[sflag:s23] =	ssyncset.done $0x0  }
0xa2: {  	[sflag:s23] =	ssyncadd.s32 s6;
	_ =	sdelay $0x1  }
0xa3: {  	s24 =	simm.s32 $0x1B8B  }
0xa4: {  	_ =	swait.ge [sflag:s24], $0x1  }
0xa5: {  	[sflag:s24] =	ssyncset.done $0x0  }
0xa6: {  	s25 =	simm.s32 $0x1B8E;
	[sflag:s24] =	ssyncadd.s32 $0xFFFFFFFF  }
0xa7: {  	s26 =	simm.s32 $execute0_lowered;
	[smem:$0x3FD2] =	sst s25  }
0xa8: {  	s6 =	sshll.u32 s26, $0x1;
	_ =	strace $0x80000046;
	[dreg:$0x1] =	wrdreg $0xFFFFFFFF  }
0xa9: {  	s28 =	simm.s32 $_size_execute0_lowered;
	s5 =	sadd.s32 s5, s6;
	[dreg:$0x0] =	wrdreg $0x0  }
0xaa: {  	s6 =	sshll.u32 s28, $0x1;
	[dreg:$0x2] =	wrdreg s5  }
0xab: {  	[dreg:$0x3] =	wrdreg s6  }
0xac: {  	[dreg:$0x4] =	wrdreg $0xC0  }
0xad: {  	_ =	task [dreg:s9], $0x5FFFF  }
0xae: {  	[dreg:$0x1] =	wrdreg $0xFFFFFFFF  }
0xaf: {  	[dreg:$0x0] =	wrdreg $0x60  }
0xb0: {  	[dreg:$0x2] =	wrdreg s2  }
0xb1: {  	[dreg:$0x3] =	wrdreg s19  }
0xb2: {  	[dreg:$0x4] =	wrdreg s4  }
0xb3: {  	[dreg:$0x5] =	wrdreg $0x9  }
0xb4: {  	_ =	task.clear_ibuf [dreg:s9], $0x6FFFF;
	_ =	strace $0x90000046  }
0xb5: {  	s29 =	simm.s32 $0x9;
	_ =	strace $0x80000048  }
0xb6: {  	_ =	swait.ge [sflag:s29], $0x1  }
0xb7: {  	[sflag:s29] =	ssyncadd.s32 $0xFFFFFFFF  }
0xb8: {  	_ =	strace $0x90000048  }
0xb9: {  	_ =	sfence  }
0xba: {  	s30 =	sld [smem:$0x0];
	_ =	sdelay $0x2  }
0xbb: {  	s31 =	sshll.u32 s1, $0xD;
	s1 =	sshrl.u32 s1, $0x2  }
0xbc: {  	s3 =	sand.u32 $0x4000, s31;
	s1 =	sadd.s32 s1, s30  }
0xbd: {  	s0 =	sor.u32 s3, s0;
	s1 =	sshll.u32 s1, $0x11  }
0xbe: {  	s0 =	sor.u32 s1, s0  }
0xbf: {  	s0 =	sadd.s32 $0x8F2B, s0  }
0xc0: {  	[sflag:s0] =	ssyncadd.remote.s32 $0x1  }
0xc1: {  	_ =	sfence.sel $0xFFFF  }
0xc2: {  	[dreg:$0x0] =	wrdreg $0xFFFFFFFF;
	(pc) =	sbr.abs _section_cstart, $3  }
0xc3: {  	[dreg:$0x1] =	wrdreg $0xFFFFFFFF  }
0xc4: {  	_ =	task.clear_ibuf [dreg:s9], $0x2FFFF;
	_ =	strace $0x9FFFFFFF  }
0xc5: {  	(tm) =	ssettm $0x7FFFFFFF  }
tec
execute0_lowered:
.L_overlay_start_1:
0x0: {  	(tag) =	ssettag $0x1  }
0x1: {  	s0 =	srdreg.scid;
	s17 =	stileid.u32  }
0x2: {  	s3 =	rddreg [dreg:$0x0];
	s0 =	sand.u32 $0x1, s0;
	s1 =	sshll.u32 s17, $0x1  }
0x3: {  	s7 =	rddreg [dreg:$0x1];
	s1 =	sor.u32 s0, s1  }
0x4: {  	s30 =	rddreg [dreg:$0x2];
	s2 =	simm.s32 $0x0;
	s1 =	smul.u32 $0xCE4, s1  }
0x5: {  	[smem:$0x7FF] =	sst s2;
	s9 =	ssub.s32 $0x2, s0  }
0x6: {  	_ =	strace $0x80000047;
	s0 =	smul.u32 $0xCE4, s0;
	s4 =	sadd.s32 $0xCE4, s1  }
0x7: {  	s5 =	sshrl.u32 s4, $0x5;
	s4 =	sshrl.u32 s1, $0x5;
	s1 =	smulhi.u32 $0x3E0F84, s1  }
0x8: {  	s10 =	sshrl.u32 s9, $0x1;
	s20 =	sadd.s32 $0xFFFFFFFF, s5;
	s24 =	sadd.s32 $0x1, s4  }
0x9: {  	s29 =	sadd.s32 $0x2, s4;
	s8 =	smin.u32 s4, s20;
	s1 =	sshll.u32 s1, $0x5  }
0xa: {  	s13 =	smin.u32 s24, s20;
	s24 =	sadd.s32 $0x3, s4;
	s6 =	smul.u32 $0xF83F, s8  }
0xb: {  	s12 =	smin.u32 s1, $0xBE0;
	s15 =	sand.u32 $0xFFFF, s13;
	s1 =	ssub.s32 s9, s10  }
0xc: {  	s15 =	smul.u32 $0xF83F, s15;
	s26 =	sshll.u32 s12, $0x4;
	s11 =	sshrl.u32 s6, $0x15  }
0xd: {  	s1 =	smax.u32 s1, $0x1;
	s6 =	sxor.u32 $0xFFFFFFFF, s12;
	s25 =	smul.u32 $0xFFFFFFDF, s11  }
0xe: {  	s7 =	sadd.s32 s7, s26;
	s14 =	sshll.u32 s11, $0x5;
	s31 =	smul.u32 $0x680, s11  }
0xf: {  	[dreg:$0x5] =	wrdreg s7;
	s7 =	sshrl.u32 s15, $0x15;
	s11 =	smul.u32 $0x6B400, s11  }
0x10: {  	s12 =	smin.u32 s29, s20;
	[dreg:$0x12] =	wrdreg s1;
	s28 =	smul.u32 $0xFFFFFFDF, s7  }
0x11: {  	s5 =	sand.u32 $0xFFFF, s12;
	s14 =	sadd.s32 s6, s14;
	s22 =	smul.u32 $0x680, s7  }
0x12: {  	s15 =	sshll.u32 s7, $0x5;
	s7 =	smul.u32 $0x6B400, s7;
	s8 =	sadd.s32 s8, s25  }
0x13: {  	s2 =	sadd.s32 s6, s15;
	s15 =	smul.u32 $0xF83F, s5;
	s10 =	sadd.s32 s8, s14  }
0x14: {  	s9 =	sadd.s32 s13, s28;
	s14 =	sadd.s32 s3, s31;
	s31 =	sadd.s32 $0x66, s4  }
0x15: {  	s4 =	sadd.s32 $0x67, s4;
	p0 =	sgt.s32 s10, $0x0;
	s13 =	sadd.s32 s9, s2  }
0x16: {  	[dreg:$0x7] =	wrdreg s14;
	s16 =	sshrl.u32 s15, $0x15;
	s4 =	smin.u32 s4, s20  }
0x17: {  	s10 =	simm.s32 @!p0 $0x0;
	p0 =	seq.s32 s8, $0x0;
	s21 =	smul.u32 $0xFFFFFFDF, s16  }
0x18: {  	p1 =	sgt.s32 s13, $0x0;
	s15 =	sshll.u32 s16, $0x5;
	s8 =	smul.u32 $0x3400, s8  }
0x19: {  	s5 =	sand.u32 $0xFFFF, s4;
	s10 =	sshll.u32 s10, $0x7;
	s13 =	simm.s32 @!p1 $0x0  }
0x1a: {  	p1 =	seq.s32 s9, $0x0;
	s23 =	sadd.s32 s6, s15;
	s15 =	smin.u32 s24, s20  }
0x1b: {  	s9 =	smul.u32 $0x3400, s9;
	s18 =	sand.u32 $0x3FFFFF80, s10;
	s13 =	sshll.u32 s13, $0x7  }
0x1c: {  	s12 =	sadd.s32 s12, s21;
	s10 =	smul.u32 $0x680, s16;
	s16 =	sand.u32 $0xFFFF, s15  }
0x1d: {  	s8 =	sadd.s32 s11, s8;
	s19 =	sand.u32 $0x3FFFFF80, s13;
	s14 =	sadd.s32 s12, s23  }
0x1e: {  	s13 =	sadd.s32 s3, s22;
	s25 =	smul.u32 $0xF83F, s16;
	s8 =	sshrl.u32 s8, $0x3  }
0x1f: {  	s7 =	sadd.s32 s7, s9;
	s18 =	simm.s32 @p0 $0x5000;
	p2 =	sgt.s32 s14, $0x0  }
0x20: {  	[dreg:$0x9] =	wrdreg s13;
	s10 =	sadd.s32 s3, s10;
	s8 =	sadd.s32 s30, s8  }
0x21: {  	s7 =	sshrl.u32 s7, $0x3;
	[dreg:$0x6] =	wrdreg s18;
	s19 =	simm.s32 @p1 $0x5000  }
0x22: {  	s14 =	simm.s32 @!p2 $0x0;
	p2 =	seq.s32 s12, $0x0;
	[dreg:$0xb] =	wrdreg s10  }
0x23: {  	s28 =	sshrl.u32 s25, $0x15;
	s12 =	smin.u32 s31, s20;
	[dreg:$0xc] =	wrdreg s8  }
0x24: {  	s7 =	sadd.s32 s30, s7;
	[dreg:$0x8] =	wrdreg s19;
	s29 =	smul.u32 $0xFFFFFFDF, s28  }
0x25: {  	s26 =	sshll.u32 s14, $0x7;
	s13 =	smul.u32 $0x680, s28;
	s2 =	sand.u32 $0xFFFF, s12  }
0x26: {  	s10 =	sshll.u32 s28, $0x5;
	[dreg:$0xf] =	wrdreg s7;
	s7 =	simm.s32 $0x6  }
0x27: {  	s16 =	sand.u32 $0x3FFFFF80, s26;
	s14 =	smul.u32 $0xF83F, s2;
	s10 =	sadd.s32 s6, s10  }
0x28: {  	s2 =	simm.s32 $0x7;
	s11 =	sadd.s32 s15, s29;
	s15 =	smul.u32 $0xF83F, s5  }
0x29: {  	s26 =	sadd.s32 s3, s13;
	s29 =	smul.u32 $0x19C8, s17;
	s16 =	simm.s32 @p2 $0x5000  }
0x2a: {  	s14 =	sshrl.u32 s14, $0x15;
	p3 =	seq.s32 s11, $0x0;
	[dreg:$0xe] =	wrdreg s26  }
0x2b: {  	s10 =	sadd.s32 s11, s10;
	[dreg:$0xa] =	wrdreg s16;
	s21 =	smul.u32 $0xFFFFFFDF, s14  }
0x2c: {  	p4 =	sgt.s32 s10, $0x0;
	s14 =	smul.u32 $0x6B400, s14;
	s15 =	sshrl.u32 s15, $0x15  }
0x2d: {  	s0 =	sadd.s32 s0, s29;
	s10 =	simm.s32 @!p4 $0x0;
	s22 =	smul.u32 $0xFFFFFFDF, s15  }
0x2e: {  	s25 =	smul.u32 $0x6B400, s15;
	s0 =	sshrl.u32 s0, $0x5;
	s11 =	sadd.s32 s12, s21  }
0x2f: {  	s23 =	sshll.u32 s10, $0x7;
	s24 =	smul.u32 $0x3400, s11;
	s4 =	sadd.s32 s4, s22  }
0x30: {  	[dreg:$0x4] =	wrdreg s0;
	s12 =	simm.s32 $0xEC80;
	s4 =	smul.u32 $0x3400, s4  }
0x31: {  	s0 =	simm.s32 $0x0;
	s11 =	sand.u32 $0x3FFFFF80, s23;
	s28 =	sadd.s32 s14, s24  }
0x32: {  	s11 =	simm.s32 @p3 $0x5000;
	s9 =	sshrl.u32 s28, $0x3;
	s4 =	sadd.s32 s25, s4  }
0x33: {  	v0 =	vlaneseq.u32;
	[dreg:$0xd] =	wrdreg s11;
	s31 =	sadd.s32 s30, s9;
	s4 =	sshrl.u32 s4, $0x3  }
0x34: {  	v1 =	vor.u32 $0x10, v0;
	v2 =	vor.u32 $0x20, v0;
	v3 =	vor.u32 $0x30, v0;
	s22 =	simm.s32 $0x64;
	[dreg:$0x10] =	wrdreg s31;
	s4 =	sadd.s32 s30, s4  }
0x35: {  	v4 =	vor.u32 $0x40, v0;
	v5 =	vor.u32 $0x50, v0;
	v6 =	vor.u32 $0x60, v0;
	s11 =	simm.s32 $0xB880;
	s9 =	simm.s32 $0x4;
	[dreg:$0x11] =	wrdreg s4  }
.LBB2_1:
0x36: {  	[dreg:$0x13] =	wrdreg s0  }
0x37: {  	s1 =	rddreg [dreg:$0x5];
	s14 =	simm.s32 $0x0;
	s15 =	simm.s32 $0x9  }
0x38: {  	[tilespmem:s14], [sflag:$0x9] =	stream.linear.gather [hbm4b:s1+s14], $0x5000, $0x38;
	[tilespmem:$0x12080] =	vst v63  }
0x39: {  	_ =	swait.ge [sflag:s15], $0x5000  }
0x3a: {  	[sflag:s15] =	ssyncset.done $0x0  }
0x3b: {  	[sflag:s15] =	ssyncadd.s32 $0xFFFFB000  }
0x3c: {  	[tilespmem:$0x5000] =	vst v0  }
0x3d: {  	[tilespmem:$0x5010] =	vst v1  }
0x3e: {  	[tilespmem:$0x5020] =	vst v2  }
0x3f: {  	s16 =	rddreg [dreg:$0x6];
	[tilespmem:$0x5030] =	vst v3  }
0x40: {  	s4 =	rddreg [dreg:$0x7];
	[tilespmem:$0x5040] =	vst v4  }
0x41: {  	s17 =	rddreg [dreg:$0x8];
	[tilespmem:$0x5050] =	vst v5  }
0x42: {  	s8 =	simm.s32 $0x5080;
	s18 =	rddreg [dreg:$0x9];
	[tilespmem:$0x5060] =	vst v6  }
0x43: {  	[tilespmem:s8], [sflag:$0x1] =	stream.indirect.gather [hbm4b:s4+s22], $0x80, s16, s22, $0xb8;
	[tilespmem:$0x12080] =	vst v63  }
0x44: {  	s10 =	simm.s32 $0x8480;
	s19 =	rddreg [dreg:$0xa]  }
0x45: {  	[tilespmem:s10], [sflag:$0x2] =	stream.indirect.gather [hbm4b:s18+s22], $0x80, s17, s22, $0xb8;
	[tilespmem:$0x12080] =	vst v63  }
0x46: {  	s23 =	simm.s32 $0x1;
	s21 =	rddreg [dreg:$0xb]  }
0x47: {  	[tilespmem:s11], [sflag:$0x3] =	stream.indirect.gather [hbm4b:s21+s22], $0x80, s19, s22, $0xb8;
	[tilespmem:$0x12080] =	vst v63  }
0x48: {  	_ =	swait.ge [sflag:s23], $0x3200  }
0x49: {  	[sflag:s23] =	ssyncset.done $0x0;
	s24 =	rddreg [dreg:$0xc]  }
0x4a: {  	s25 =	rddreg [dreg:$0xd];
	[sflag:s23] =	ssyncadd.s32 $0xFFFFCE00  }
0x4b: {  	[hbm4b:s24+s14] =	stream.linear.scatter [tilespmem:s8], [sflag:$0x5], $0x3200, $0x38;
	[tilespmem:$0x12080] =	vst v63  }
0x4c: {  	s31 =	simm.s32 $0x2;
	s26 =	rddreg [dreg:$0xe]  }
0x4d: {  	[tilespmem:s12], [sflag:$0x4] =	stream.indirect.gather [hbm4b:s26+s22], $0x80, s25, s22, $0xb8;
	[tilespmem:$0x12080] =	vst v63  }
0x4e: {  	_ =	swait.ge [sflag:s31], $0x3200  }
0x4f: {  	[sflag:s31] =	ssyncset.done $0x0  }
0x50: {  	s5 =	simm.s32 $0x5;
	s4 =	rddreg [dreg:$0xf];
	[sflag:s31] =	ssyncadd.s32 $0xFFFFCE00  }
0x51: {  	[hbm4b:s4+s14] =	stream.linear.scatter [tilespmem:s10], [sflag:$0x6], $0x3200, $0x38;
	[tilespmem:$0x12080] =	vst v63  }
0x52: {  	s13 =	simm.s32 $0x4;
	_ =	swait.ge [sflag:s5], $0x3200  }
0x53: {  	s11 =	smov.u32 s20;
	s12 =	smov.u32 s20;
	s23 =	rddreg [dreg:$0x4]  }
0x54: {  	s14 =	smov.u32 s20;
	[sflag:s5] =	ssyncset.done $0x0;
	s24 =	sadd.s32 $0x0, s23  }
0x55: {  	[sflag:s5] =	ssyncadd.s32 $0xFFFFCE00;
	s4 =	sadd.s32 $0x4, s24;
	s10 =	sadd.s32 $0x6, s24  }
0x56: {  	s15 =	sadd.s32 $0x3, s24;
	s16 =	sadd.s32 $0x5, s24;
	s17 =	sadd.s32 $0x2, s24  }
0x57: {  	s8 =	sadd.s32 $0x7, s24;
	p0 =	slt.s32 s4, s20;
	p1 =	slt.s32 s10, s20  }
0x58: {  	s14 =	smov.u32 @p1 s10;
	s11 =	smov.u32 @p0 s4;
	p0 =	slt.s32 s17, s20  }
0x59: {  	s10 =	smov.u32 s20;
	s18 =	smulhi.u32 $0x3E0F83E1, s14;
	s4 =	sshra.s32 s11, $0x1F  }
0x5a: {  	s19 =	sshra.s32 s14, $0x1F;
	s12 =	smov.u32 @p0 s17;
	s21 =	smul.u32 $0x3E0F83E1, s4  }
0x5b: {  	p0 =	slt.s32 s15, s20;
	s25 =	sshra.s32 s12, $0x1F;
	s23 =	smulhi.u32 $0x3E0F83E1, s12  }
0x5c: {  	s17 =	smov.u32 s20;
	s4 =	smov.u32 s20;
	s26 =	smul.u32 $0x3E0F83E1, s25  }
0x5d: {  	s4 =	smov.u32 @p0 s15;
	p0 =	slt.s32 s16, s20;
	s25 =	smulhi.u32 $0x3E0F83E1, s11  }
0x5e: {  	s17 =	smov.u32 @p0 s16;
	s31 =	sshra.s32 s4, $0x1F;
	s28 =	smulhi.u32 $0x3E0F83E1, s4  }
0x5f: {  	p0 =	slt.s32 s8, s20;
	p2 =	slt.s32 s4, $0x1;
	s24 =	smulhi.u32 $0x3E0F83E1, s17  }
0x60: {  	s10 =	smov.u32 @p0 s8;
	s15 =	sadd.s32 s26, s23;
	p0 =	slt.s32 s12, $0x1  }
0x61: {  	s0 =	sadd.s32 s21, s25;
	s16 =	smul.u32 $0x3E0F83E1, s31;
	s1 =	sshra.s32 s17, $0x1F  }
0x62: {  	s26 =	smulhi.u32 $0x3E0F83E1, s10;
	s23 =	sshrl.u32 s15, $0x1F;
	s21 =	sshrl.u32 s0, $0x1F  }
0x63: {  	s8 =	sshra.s32 s0, $0x3;
	s5 =	sshra.s32 s10, $0x1F;
	s25 =	smul.u32 $0x3E0F83E1, s1  }
0x64: {  	s15 =	sshra.s32 s15, $0x3;
	s0 =	ssub.s32 $0x0, s12;
	s1 =	smul.u32 $0x3E0F83E1, s19  }
0x65: {  	s8 =	sadd.s32 s21, s8;
	s15 =	sadd.s32 s23, s15;
	s21 =	smul.u32 $0x3E0F83E1, s5  }
0x66: {  	s16 =	sadd.s32 s16, s28;
	s31 =	sadd.s32 s25, s24;
	s29 =	smul.u32 $0xFFFFFFDF, s8  }
0x67: {  	s25 =	sshra.s32 s16, $0x3;
	s16 =	sshrl.u32 s16, $0x1F;
	s18 =	sadd.s32 s1, s18  }
0x68: {  	s5 =	sshrl.u32 s31, $0x1F;
	s23 =	sshra.s32 s31, $0x3;
	s31 =	smul.u32 $0xFFFFFFDF, s15  }
0x69: {  	s21 =	sadd.s32 s21, s26;
	s19 =	sadd.s32 s5, s23;
	s23 =	sadd.s32 s16, s25  }
0x6a: {  	s25 =	ssub.s32 $0x0, s4;
	s16 =	sadd.s32 s11, s29;
	s26 =	smul.u32 $0xFFFFFFDF, s23  }
0x6b: {  	s11 =	sshra.s32 s21, $0x3;
	s5 =	smov.u32 s30;
	s28 =	smul.u32 $0xFFFFFFDF, s19  }
0x6c: {  	p3 =	sne.s32 s31, s0;
	s29 =	smul.u32 $0x3400, s19;
	s0 =	simm.s32 $0x3  }
.LBB2_2:
0x6d: {  	s30 =	sshrl.u32 s18, $0x1F;
	s31 =	sshra.s32 s18, $0x3;
	s24 =	smul.u32 $0x6B400, s19  }
0x6e: {  	s1 =	smul.u32 $0x3400, s8;
	p0 =	por !p0, !p3;
	p1 =	sne.s32 s26, s25  }
0x6f: {  	s26 =	sadd.s32 s30, s31;
	s31 =	sshrl.u32 s21, $0x1F;
	s21 =	sshrl.u32 s29, $0x3  }
0x70: {  	s17 =	sadd.s32 s17, s28;
	p0 =	por !p0, !p0;
	p1 =	por !p2, !p1  }
0x71: {  	s30 =	smul.u32 $0xFFFFFFDF, s26;
	s25 =	sshrl.u32 s1, $0x3;
	s1 =	simm.s32 $0x1  }
0x72: {  	s29 =	smul.u32 $0x3400, s26;
	p4 =	seq.s32 s17, $0x0;
	p1 =	por !p1, !p1  }
0x73: {  	p2 =	seq.s32 s16, $0x0;
	s19 =	sshll.u32 @!p4 s19, $0x5;
	s1 =	simm.s32 @!p1 $0x0  }
0x74: {  	s14 =	sadd.s32 s14, s30;
	s19 =	sadd.s32 @!p4 s6, s19;
	s30 =	smul.u32 $0x3400, s17  }
0x75: {  	s1 =	ssub.s32 s23, s1;
	p1 =	seq.s32 s14, $0x0;
	s23 =	sadd.s32 s31, s11  }
0x76: {  	s11 =	sshrl.u32 s29, $0x3;
	s19 =	sadd.s32 @!p4 s17, s19;
	s31 =	smul.u32 $0xFFFFFFDF, s1  }
0x77: {  	s17 =	simm.s32 $0x8480;
	s26 =	sshll.u32 @!p1 s26, $0x5;
	s1 =	smul.u32 $0x6B400, s1  }
0x78: {  	s28 =	smul.u32 $0xFFFFFFDF, s23;
	p5 =	sgt.s32 @!p4 s19, $0x0;
	s26 =	sadd.s32 @!p1 s6, s26  }
0x79: {  	s29 =	smul.u32 $0x3400, s23;
	p5 =	por !p5, p4;
	s14 =	sadd.s32 @!p1 s14, s26  }
0x7a: {  	s26 =	sshll.u32 @!p2 s8, $0x5;
	s10 =	sadd.s32 s10, s28;
	s28 =	simm.s32 $0x1  }
0x7b: {  	s19 =	simm.s32 @p5 $0x0;
	s4 =	sadd.s32 s4, s31;
	s26 =	sadd.s32 @!p2 s6, s26  }
0x7c: {  	s31 =	sadd.s32 s3, s25;
	s25 =	simm.s32 $0x5080;
	s26 =	sadd.s32 @!p2 s16, s26  }
0x7d: {  	s28 =	simm.s32 @!p0 $0x0;
	s19 =	sshll.u32 @!p4 s19, $0x9;
	p3 =	sgt.s32 @!p2 s26, $0x0  }
0x7e: {  	s4 =	smul.u32 $0x3400, s4;
	s15 =	ssub.s32 s15, s28;
	p3 =	por !p3, p2  }
0x7f: {  	p0 =	seq.s32 s10, $0x0;
	s28 =	smul.u32 $0xFFFFFFDF, s15;
	s26 =	simm.s32 @p3 $0x0  }
0x80: {  	s19 =	sshra.s32 @!p4 s19, $0x2;
	s1 =	sadd.s32 s1, s4;
	s26 =	sshll.u32 @!p2 s26, $0x9  }
0x81: {  	s15 =	smul.u32 $0x6B400, s15;
	s12 =	sadd.s32 s12, s28;
	s26 =	sshra.s32 @!p2 s26, $0x2  }
0x82: {  	s4 =	sadd.s32 s24, s30;
	s12 =	smul.u32 $0x3400, s12;
	s26 =	simm.s32 @p2 $0x5000  }
0x83: {  	[tilespmem:s25], [sflag:$0x1] =	stream.indirect.gather [hbm4b:s31+s22], $0x80, s26, s22, $0xb8;
	[tilespmem:$0x12080] =	vst v63  }
0x84: {  	s24 =	simm.s32 $0x0;
	s12 =	sadd.s32 s15, s12;
	_ =	swait.ge [sflag:s0], $0x3200  }
0x85: {  	s15 =	sshll.u32 @!p0 s23, $0x5;
	s12 =	sshrl.u32 s12, $0x3;
	[sflag:s0] =	ssyncset.done $0x0  }
0x86: {  	s23 =	simm.s32 $0xB880;
	s12 =	sadd.s32 s5, s12;
	[sflag:s0] =	ssyncadd.s32 $0xFFFFCE00  }
0x87: {  	[hbm4b:s12+s24] =	stream.linear.scatter [tilespmem:s23], [sflag:$0x7], $0x3200, $0x38;
	[tilespmem:$0x12080] =	vst v63  }
0x88: {  	s11 =	sadd.s32 s3, s11;
	s19 =	simm.s32 @p4 $0x5000;
	_ =	swait.ge [sflag:s7], $0x3200  }
0x89: {  	s30 =	simm.s32 $0xEC80;
	s1 =	sshrl.u32 s1, $0x3;
	[sflag:s7] =	ssyncset.done $0x0  }
0x8a: {  	p2 =	sgt.s32 @!p1 s14, $0x0;
	s26 =	sadd.s32 s3, s21;
	[sflag:s7] =	ssyncadd.s32 $0xFFFFCE00  }
0x8b: {  	[tilespmem:s17], [sflag:$0x2] =	stream.indirect.gather [hbm4b:s26+s22], $0x80, s19, s22, $0xb8;
	[tilespmem:$0x12080] =	vst v63  }
0x8c: {  	s1 =	sadd.s32 s5, s1;
	p2 =	por !p2, p1;
	_ =	swait.ge [sflag:s9], $0x3200  }
0x8d: {  	s31 =	smul.u32 $0x6B400, s8;
	s21 =	simm.s32 $0x1;
	[sflag:s9] =	ssyncset.done $0x0  }
0x8e: {  	s14 =	simm.s32 @p2 $0x0;
	s12 =	sadd.s32 @!p0 s6, s15;
	[sflag:s9] =	ssyncadd.s32 $0xFFFFCE00  }
0x8f: {  	[hbm4b:s1+s24] =	stream.linear.scatter [tilespmem:s30], [sflag:$0x8], $0x3200, $0x38;
	[tilespmem:$0x12080] =	vst v63  }
0x90: {  	s10 =	sadd.s32 @!p0 s10, s12;
	s12 =	sshll.u32 @!p1 s14, $0x9;
	_ =	swait.ge [sflag:s2], $0x3200  }
0x91: {  	p2 =	sgt.s32 @!p0 s10, $0x0;
	s12 =	sshra.s32 @!p1 s12, $0x2;
	[sflag:s2] =	ssyncset.done $0x0  }
0x92: {  	s12 =	simm.s32 @p1 $0x5000;
	s19 =	smul.u32 $0x3400, s16;
	[sflag:s2] =	ssyncadd.s32 $0xFFFFCE00  }
0x93: {  	[tilespmem:s23], [sflag:$0x3] =	stream.indirect.gather [hbm4b:s11+s22], $0x80, s12, s22, $0xb8;
	[tilespmem:$0x12080] =	vst v63  }
0x94: {  	p2 =	por !p2, p0;
	s1 =	sadd.s32 s31, s19;
	_ =	swait.ge [sflag:s21], $0x3200  }
0x95: {  	s10 =	simm.s32 @p2 $0x0;
	s1 =	sshrl.u32 s1, $0x3;
	[sflag:s21] =	ssyncset.done $0x0  }
0x96: {  	s1 =	sadd.s32 s5, s1;
	s23 =	simm.s32 $0x8;
	[sflag:s21] =	ssyncadd.s32 $0xFFFFCE00  }
0x97: {  	[hbm4b:s1+s24] =	stream.linear.scatter [tilespmem:s25], [sflag:$0x5], $0x3200, $0x38;
	[tilespmem:$0x12080] =	vst v63  }
0x98: {  	s15 =	sshrl.u32 s29, $0x3;
	s8 =	sshll.u32 @!p0 s10, $0x9;
	_ =	swait.ge [sflag:s23], $0x3200  }
0x99: {  	s26 =	simm.s32 $0x2;
	s8 =	sshra.s32 @!p0 s8, $0x2;
	[sflag:s23] =	ssyncset.done $0x0  }
0x9a: {  	s8 =	simm.s32 @p0 $0x5000;
	s25 =	sadd.s32 s3, s15;
	[sflag:s23] =	ssyncadd.s32 $0xFFFFCE00  }
0x9b: {  	[tilespmem:s30], [sflag:$0x4] =	stream.indirect.gather [hbm4b:s25+s22], $0x80, s8, s22, $0xb8;
	[tilespmem:$0x12080] =	vst v63  }
0x9c: {  	s18 =	smov.u32 s13;
	s13 =	sadd.s32 $0x4, s13;
	_ =	swait.ge [sflag:s26], $0x3200  }
0x9d: {  	s4 =	sshrl.u32 s4, $0x3;
	s14 =	smov.u32 s20;
	[sflag:s26] =	ssyncset.done $0x0  }
0x9e: {  	s31 =	simm.s32 $0x5;
	s30 =	sadd.s32 s5, s4;
	[sflag:s26] =	ssyncadd.s32 $0xFFFFCE00  }
0x9f: {  	[hbm4b:s30+s24] =	stream.linear.scatter [tilespmem:s17], [sflag:$0x6], $0x3200, $0x38;
	[tilespmem:$0x12080] =	vst v63  }
0xa0: {  	p1 =	sne.s32 s13, $0x64;
	s11 =	smov.u32 s20;
	_ =	swait.ge [sflag:s31], $0x3200  }
0xa1: {  	s12 =	smov.u32 s20;
	s17 =	rddreg [dreg:$0x4];
	[sflag:s31] =	ssyncset.done $0x0  }
0xa2: {  	s1 =	sadd.s32 s18, s17;
	s17 =	smov.u32 s20;
	[sflag:s31] =	ssyncadd.s32 $0xFFFFCE00  }
0xa3: {  	s4 =	sadd.s32 $0x4, s1;
	s8 =	sadd.s32 $0x3, s1;
	s10 =	sadd.s32 $0x6, s1  }
0xa4: {  	s15 =	sadd.s32 $0x5, s1;
	p0 =	slt.s32 s4, s20;
	p2 =	slt.s32 s10, s20  }
0xa5: {  	s11 =	smov.u32 @p0 s4;
	s4 =	sadd.s32 $0x2, s1;
	s14 =	smov.u32 @p2 s10  }
0xa6: {  	s1 =	sadd.s32 $0x7, s1;
	s10 =	smov.u32 s20;
	s16 =	smulhi.u32 $0x3E0F83E1, s14  }
0xa7: {  	p0 =	slt.s32 s4, s20;
	s19 =	sshra.s32 s11, $0x1F;
	s30 =	smulhi.u32 $0x3E0F83E1, s11  }
0xa8: {  	s18 =	sshra.s32 s14, $0x1F;
	s12 =	smov.u32 @p0 s4;
	s19 =	smul.u32 $0x3E0F83E1, s19  }
0xa9: {  	p0 =	slt.s32 s8, s20;
	s4 =	smov.u32 s20;
	s18 =	smul.u32 $0x3E0F83E1, s18  }
0xaa: {  	s21 =	sshra.s32 s12, $0x1F;
	s4 =	smov.u32 @p0 s8;
	s26 =	smulhi.u32 $0x3E0F83E1, s12  }
0xab: {  	p0 =	slt.s32 s15, s20;
	s29 =	ssub.s32 $0x0, s12;
	s23 =	smul.u32 $0x3E0F83E1, s21  }
0xac: {  	s21 =	sshra.s32 s4, $0x1F;
	s17 =	smov.u32 @p0 s15;
	p0 =	slt.s32 s1, s20  }
0xad: {  	s15 =	sadd.s32 s19, s30;
	s18 =	sadd.s32 s18, s16;
	s24 =	smulhi.u32 $0x3E0F83E1, s17  }
0xae: {  	p2 =	slt.s32 s4, $0x1;
	s10 =	smov.u32 @p0 s1;
	s19 =	smul.u32 $0x3E0F83E1, s21  }
0xaf: {  	s30 =	sshra.s32 s17, $0x1F;
	s21 =	sshrl.u32 s15, $0x1F;
	s28 =	smulhi.u32 $0x3E0F83E1, s10  }
0xb0: {  	s8 =	sshra.s32 s15, $0x3;
	s31 =	sadd.s32 s23, s26;
	s26 =	smulhi.u32 $0x3E0F83E1, s4  }
0xb1: {  	s23 =	sshrl.u32 s31, $0x1F;
	s1 =	sshra.s32 s31, $0x3;
	s31 =	smul.u32 $0x3E0F83E1, s30  }
0xb2: {  	s25 =	sshra.s32 s10, $0x1F;
	s8 =	sadd.s32 s21, s8;
	s15 =	sadd.s32 s23, s1  }
0xb3: {  	s1 =	smul.u32 $0x3E0F83E1, s25;
	s19 =	sadd.s32 s19, s26;
	s31 =	sadd.s32 s31, s24  }
0xb4: {  	s24 =	smul.u32 $0xFFFFFFDF, s8;
	s26 =	sshra.s32 s19, $0x3;
	s30 =	sshrl.u32 s19, $0x1F  }
.Ltmp0:
0xb5: {  	s23 =	sshrl.u32 s31, $0x1F;
	s21 =	sshra.s32 s31, $0x3;
	(pc) =	sbr.rel @p1 .LBB2_2-.Ltmp0, $4  }
0xb6: {  	s31 =	smul.u32 $0xFFFFFFDF, s15;
	s19 =	sadd.s32 s23, s21;
	s23 =	sadd.s32 s30, s26  }
0xb7: {  	p0 =	slt.s32 s12, $0x1;
	s25 =	ssub.s32 $0x0, s4;
	s26 =	smul.u32 $0xFFFFFFDF, s23  }
0xb8: {  	s21 =	sadd.s32 s1, s28;
	s16 =	sadd.s32 s11, s24;
	s28 =	smul.u32 $0xFFFFFFDF, s19  }
0xb9: {  	p3 =	sne.s32 s31, s29;
	s29 =	smul.u32 $0x3400, s19;
	s11 =	sshra.s32 s21, $0x3  }
0xba: {  	p1 =	seq.s32 s16, $0x0  }
0xbb: {  	s1 =	sshll.u32 @!p1 s8, $0x5  }
0xbc: {  	p0 =	por !p0, !p3;
	s1 =	sadd.s32 @!p1 s6, s1  }
0xbd: {  	s13 =	simm.s32 $0x1;
	p0 =	por !p0, !p0;
	s1 =	sadd.s32 @!p1 s16, s1  }
0xbe: {  	s13 =	simm.s32 @!p0 $0x0;
	p0 =	sgt.s32 @!p1 s1, $0x0  }
0xbf: {  	s24 =	smul.u32 $0x3400, s8;
	s13 =	ssub.s32 s15, s13;
	p0 =	por !p0, p1  }
0xc0: {  	s30 =	simm.s32 $0x0;
	s15 =	smul.u32 $0xFFFFFFDF, s13;
	s1 =	simm.s32 @p0 $0x0  }
0xc1: {  	s31 =	sshrl.u32 s24, $0x3;
	s24 =	simm.s32 $0x5080;
	s1 =	sshll.u32 @!p1 s1, $0x9  }
0xc2: {  	s13 =	smul.u32 $0x6B400, s13;
	s12 =	sadd.s32 s12, s15;
	s1 =	sshra.s32 @!p1 s1, $0x2  }
0xc3: {  	s15 =	sadd.s32 s3, s31;
	s12 =	smul.u32 $0x3400, s12;
	s1 =	simm.s32 @p1 $0x5000  }
0xc4: {  	[tilespmem:s24], [sflag:$0x1] =	stream.indirect.gather [hbm4b:s15+s22], $0x80, s1, s22, $0xb8;
	[tilespmem:$0x12080] =	vst v63  }
0xc5: {  	s13 =	sadd.s32 s13, s12;
	s12 =	sadd.s32 s17, s28;
	_ =	swait.ge [sflag:s0], $0x3200  }
0xc6: {  	s28 =	simm.s32 $0xB880;
	s1 =	sshrl.u32 s13, $0x3;
	[sflag:s0] =	ssyncset.done $0x0  }
0xc7: {  	p0 =	seq.s32 s12, $0x0;
	s1 =	sadd.s32 s5, s1;
	[sflag:s0] =	ssyncadd.s32 $0xFFFFCE00  }
0xc8: {  	[hbm4b:s1+s30] =	stream.linear.scatter [tilespmem:s28], [sflag:$0x7], $0x3200, $0x38;
	[tilespmem:$0x12080] =	vst v63  }
0xc9: {  	s1 =	sshll.u32 @!p0 s19, $0x5  }
0xca: {  	s1 =	sadd.s32 @!p0 s6, s1  }
0xcb: {  	s1 =	sadd.s32 @!p0 s12, s1  }
0xcc: {  	p1 =	sgt.s32 @!p0 s1, $0x0  }
0xcd: {  	p1 =	por !p1, p0  }
0xce: {  	p5 =	sne.s32 s26, s25;
	s25 =	simm.s32 $0x8480;
	s1 =	simm.s32 @p1 $0x0  }
0xcf: {  	p6 =	por !p2, !p5;
	_ =	swait.ge [sflag:s7], $0x3200;
	s1 =	sshll.u32 @!p0 s1, $0x9  }
0xd0: {  	s15 =	sshrl.u32 s29, $0x3;
	[sflag:s7] =	ssyncset.done $0x0;
	s1 =	sshra.s32 @!p0 s1, $0x2  }
0xd1: {  	s13 =	sadd.s32 s3, s15;
	[sflag:s7] =	ssyncadd.s32 $0xFFFFCE00;
	s1 =	simm.s32 @p0 $0x5000  }
0xd2: {  	[tilespmem:s25], [sflag:$0x2] =	stream.indirect.gather [hbm4b:s13+s22], $0x80, s1, s22, $0xb8;
	[tilespmem:$0x12080] =	vst v63  }
0xd3: {  	p0 =	por !p6, !p6;
	s1 =	simm.s32 $0x1  }
0xd4: {  	s1 =	simm.s32 @!p0 $0x0  }
0xd5: {  	s17 =	sshrl.u32 s18, $0x1F;
	s18 =	sshra.s32 s18, $0x3;
	s1 =	ssub.s32 s23, s1  }
0xd6: {  	s13 =	sadd.s32 s17, s18;
	s23 =	smul.u32 $0xFFFFFFDF, s1  }
0xd7: {  	s26 =	smul.u32 $0xFFFFFFDF, s13  }
0xd8: {  	s1 =	smul.u32 $0x6B400, s1;
	s4 =	sadd.s32 s4, s23  }
0xd9: {  	s14 =	sadd.s32 s14, s26;
	s4 =	smul.u32 $0x3400, s4  }
0xda: {  	s29 =	simm.s32 $0xEC80;
	p0 =	seq.s32 s14, $0x0  }
0xdb: {  	_ =	swait.ge [sflag:s9], $0x3200;
	s1 =	sadd.s32 s1, s4;
	s4 =	sshll.u32 @!p0 s13, $0x5  }
0xdc: {  	[sflag:s9] =	ssyncset.done $0x0;
	s4 =	sadd.s32 @!p0 s6, s4;
	s1 =	sshrl.u32 s1, $0x3  }
0xdd: {  	[sflag:s9] =	ssyncadd.s32 $0xFFFFCE00;
	s4 =	sadd.s32 @!p0 s14, s4;
	s1 =	sadd.s32 s5, s1  }
0xde: {  	[hbm4b:s1+s30] =	stream.linear.scatter [tilespmem:s29], [sflag:$0x8], $0x3200, $0x38;
	[tilespmem:$0x12080] =	vst v63  }
0xdf: {  	p1 =	sgt.s32 @!p0 s4, $0x0  }
0xe0: {  	p1 =	por !p1, p0  }
0xe1: {  	s31 =	smul.u32 $0x3400, s13;
	s4 =	simm.s32 @p1 $0x0  }
0xe2: {  	s16 =	smul.u32 $0x3400, s16;
	_ =	swait.ge [sflag:s2], $0x3200;
	s4 =	sshll.u32 @!p0 s4, $0x9  }
0xe3: {  	s1 =	sshrl.u32 s31, $0x3;
	[sflag:s2] =	ssyncset.done $0x0;
	s4 =	sshra.s32 @!p0 s4, $0x2  }
0xe4: {  	s1 =	sadd.s32 s3, s1;
	[sflag:s2] =	ssyncadd.s32 $0xFFFFCE00;
	s4 =	simm.s32 @p0 $0x5000  }
0xe5: {  	[tilespmem:s28], [sflag:$0x3] =	stream.indirect.gather [hbm4b:s1+s22], $0x80, s4, s22, $0xb8;
	[tilespmem:$0x12080] =	vst v63  }
0xe6: {  	s15 =	smul.u32 $0x6B400, s8;
	s4 =	sshrl.u32 s21, $0x1F  }
0xe7: {  	s17 =	simm.s32 $0x1;
	s1 =	sadd.s32 s4, s11  }
0xe8: {  	s8 =	sadd.s32 s15, s16;
	_ =	swait.ge [sflag:s17], $0x3200;
	s13 =	smul.u32 $0xFFFFFFDF, s1  }
0xe9: {  	s8 =	sshrl.u32 s8, $0x3;
	[sflag:s17] =	ssyncset.done $0x0  }
0xea: {  	s8 =	sadd.s32 s5, s8;
	[sflag:s17] =	ssyncadd.s32 $0xFFFFCE00;
	s4 =	sadd.s32 s10, s13  }
0xeb: {  	[hbm4b:s8+s30] =	stream.linear.scatter [tilespmem:s24], [sflag:$0x5], $0x3200, $0x38;
	[tilespmem:$0x12080] =	vst v63  }
0xec: {  	p0 =	seq.s32 s4, $0x0  }
0xed: {  	s10 =	sshll.u32 @!p0 s1, $0x5  }
0xee: {  	s10 =	sadd.s32 @!p0 s6, s10  }
0xef: {  	s4 =	sadd.s32 @!p0 s4, s10  }
0xf0: {  	s18 =	smul.u32 $0x6B400, s19;
	p1 =	sgt.s32 @!p0 s4, $0x0  }
0xf1: {  	s19 =	smul.u32 $0x3400, s12;
	p1 =	por !p1, p0  }
0xf2: {  	s21 =	simm.s32 $0x8;
	s1 =	smul.u32 $0x3400, s1;
	s4 =	simm.s32 @p1 $0x0  }
0xf3: {  	s24 =	simm.s32 $0x2;
	_ =	swait.ge [sflag:s21], $0x3200;
	s4 =	sshll.u32 @!p0 s4, $0x9  }
0xf4: {  	[sflag:s21] =	ssyncset.done $0x0;
	s1 =	sshrl.u32 s1, $0x3;
	s4 =	sshra.s32 @!p0 s4, $0x2  }
0xf5: {  	[sflag:s21] =	ssyncadd.s32 $0xFFFFCE00;
	s1 =	sadd.s32 s3, s1;
	s4 =	simm.s32 @p0 $0x5000  }
0xf6: {  	[tilespmem:s29], [sflag:$0x4] =	stream.indirect.gather [hbm4b:s1+s22], $0x80, s4, s22, $0xb8;
	[tilespmem:$0x12080] =	vst v63  }
0xf7: {  	s23 =	sadd.s32 s18, s19;
	_ =	swait.ge [sflag:s24], $0x3200  }
0xf8: {  	s1 =	sshrl.u32 s23, $0x3;
	[sflag:s24] =	ssyncset.done $0x0  }
0xf9: {  	s1 =	sadd.s32 s5, s1;
	[sflag:s24] =	ssyncadd.s32 $0xFFFFCE00  }
0xfa: {  	[hbm4b:s1+s30] =	stream.linear.scatter [tilespmem:s25], [sflag:$0x6], $0x3200, $0x38;
	[tilespmem:$0x12080] =	vst v63  }
0xfb: {  	_ =	swait.ge [sflag:s0], $0x3200  }
0xfc: {  	[sflag:s0] =	ssyncset.done $0x0  }
0xfd: {  	s25 =	rddreg [dreg:$0x10];
	[sflag:s0] =	ssyncadd.s32 $0xFFFFCE00  }
0xfe: {  	[hbm4b:s25+s30] =	stream.linear.scatter [tilespmem:s28], [sflag:$0x7], $0x3200, $0x38;
	[tilespmem:$0x12080] =	vst v63  }
0xff: {  	_ =	swait.ge [sflag:s9], $0x3200  }
0x100: {  	[sflag:s9] =	ssyncset.done $0x0  }
0x101: {  	s28 =	simm.s32 $0x5;
	s26 =	rddreg [dreg:$0x11];
	[sflag:s9] =	ssyncadd.s32 $0xFFFFCE00  }
0x102: {  	[hbm4b:s26+s30] =	stream.linear.scatter [tilespmem:s29], [sflag:$0x8], $0x3200, $0x38;
	[tilespmem:$0x12080] =	vst v63  }
0x103: {  	_ =	swait.ge [sflag:s28], $0x3200  }
0x104: {  	[sflag:s28] =	ssyncset.done $0x0  }
0x105: {  	[sflag:s28] =	ssyncadd.s32 $0xFFFFCE00  }
0x106: {  	_ =	swait.ge [sflag:s7], $0x3200  }
0x107: {  	[sflag:s7] =	ssyncset.done $0x0  }
0x108: {  	[sflag:s7] =	ssyncadd.s32 $0xFFFFCE00  }
0x109: {  	_ =	swait.ge [sflag:s2], $0x3200  }
0x10a: {  	[sflag:s2] =	ssyncset.done $0x0  }
0x10b: {  	[sflag:s2] =	ssyncadd.s32 $0xFFFFCE00  }
0x10c: {  	_ =	swait.ge [sflag:s21], $0x3200  }
0x10d: {  	s29 =	rddreg [dreg:$0x13]  }
0x10e: {  	s31 =	rddreg [dreg:$0x12];
	s0 =	sadd.s32 $0x1, s29  }
0x10f: {  	p0 =	sne.s32 s0, s31  }
.Ltmp1:
0x110: {  	_ = 	snop;
	(pc) =	sbr.rel @p0 .LBB2_1-.Ltmp1, $3  }
0x111: {  	_ =	sdelay $0x1  }
0x112: {  	s12 =	simm.s32 $0xEC80;
	[sflag:s21] =	ssyncset.done $0x0  }
0x113: {  	s11 =	simm.s32 $0xB880;
	s30 =	smov.u32 s5;
	[sflag:s21] =	ssyncadd.s32 $0xFFFFCE00  }
0x114: {  	_ =	sfence.sel $0x180000  }
0x115: {  	[bflag:$0x0] =	sbarrier.arrive $0xFFFF  }
0x116: {  	_ =	strace $0x90000047  }
0x117: {  	s0 =	stileid.u32;
	[bflag:$0x2] =	sbarrier.arrive $0xFFFF  }
0x118: {  	p0 =	sne.s32 s0, $0x0;
	s0 =	rddreg [dreg:$0x3]  }
0x119: {  	s0 =	sadd.s32 @!p0 $0x100000, s0  }
0x11a: {  	[sflag:s0] =	ssyncadd.tile.s32 @!p0 $0x1;
	_ =	shalt  }
.Lfunc_end2:
_tile_overlayer_lowered:
.L_overlay_start_2:
0x11b: {  	(tag) =	ssettag $0x2  }
0x11c: {  	s0 =	rddreg [dreg:$0x0];
	s2 =	stileid.u32  }
0x11d: {  	s1 =	rddreg [dreg:$0x1];
	p0 =	sne.s32 s2, $0x0  }
0x11e: {  	s3 =	rddreg [dreg:$0x2];
	[bflag:$0x3] =	sbarrier.arrive $0xFFFF;
	s2 =	simm.s32 @!p0 $0x1C09  }
0x11f: {  	[timem:s3], [sflag:s2] =	dma.local @!p0 [hbm:s0], s1  }
0x120: {  	s0 =	simm.s32 @!p0 $0x9  }
0x121: {  	_ =	swait.ge @!p0 [sflag:s0], s1  }
0x122: {  	s1 =	ssub.s32 @!p0 $0x0, s1;
	[sflag:s0] =	ssyncset.done @!p0 $0x0  }
0x123: {  	[sflag:s0] =	ssyncadd.s32 @!p0 s1  }
0x124: {  	[bflag:$0x3] =	sbarrier.arrive $0xFFFF  }
0x125: {  	_ =	shalt  }

</sc_bundles>
